<compile_context>
chip_gen: v7x
topology: tpu7x:2x2x1
jax: 0.10.2.dev20260603
libtpu: 0.0.44.dev20260713+nightly
codegen_flags: <defaults>
</compile_context>

<pallas_src>
import functools

import jax
import jax.numpy as jnp
from jax import lax
from jax.experimental import pallas as pl
from jax.experimental.pallas import tpu as pltpu
from jax.experimental.pallas import tpu_sc as plsc

NBINS = 768
N = 1048576
L = 16
NS = 16
NC = 2
W = N // (NC * NS)
CH = 8192
G = W // CH
UNROLL = 8

_mesh = plsc.VectorSubcoreMesh(
    core_axis_name="c", subcore_axis_name="s", num_cores=NC, num_subcores=NS)


@functools.partial(
    pl.kernel,
    out_type=jax.ShapeDtypeStruct((NC, NBINS), jnp.float32),
    mesh=_mesh,
    scratch_types=[
        pltpu.VMEM((2, CH), jnp.int32),
        pltpu.VMEM((NBINS * L,), jnp.float32),
        pltpu.VMEM((NBINS,), jnp.float32),
        pltpu.VMEM((NS, NBINS), jnp.float32),
        pltpu.VMEM_SHARED((NS, NBINS), jnp.float32),
        pltpu.SemaphoreType.DMA,
        pltpu.SemaphoreType.DMA,
    ],
    compiler_params=pltpu.CompilerParams(needs_layout_passes=False),
)
def _hist_sc(x_hbm, out_hbm, buf, hist, part, comb, shared, sem0, sem1):
    i32 = jnp.int32
    sid = lax.axis_index("s").astype(i32)
    cid = lax.axis_index("c").astype(i32)
    wid = sid * i32(NC) + cid
    base = wid * i32(W)
    sems = (sem0, sem1)

    def issue(g):
        return pltpu.async_copy(
            x_hbm.at[pl.ds(base + i32(g * CH), CH)], buf.at[i32(g % 2)],
            sems[g % 2])

    descs = [issue(0), issue(1)]

    zero = jnp.zeros((L,), jnp.float32)

    @plsc.parallel_loop(i32(0), i32(NBINS * L), step=jnp.int32(L), unroll=UNROLL)
    def _(j):
        hist[pl.ds(j, L)] = zero

    lane_seq = jnp.arange(L, dtype=jnp.int32)
    last_mask = lane_seq == i32(L - 1)
    ones = jnp.ones((L,), jnp.float32)

    for g in range(G):
        b = g % 2
        descs[b].wait()

        @plsc.parallel_loop(i32(0), i32(CH), step=jnp.int32(L), unroll=UNROLL)
        def _(i, _b=b):
            w = buf[i32(_b), pl.ds(i, L)]
            plsc.addupdate_scatter(hist, [(w << 4) | lane_seq], ones)
        if g + 2 < G:
            descs[b] = issue(g + 2)

    @plsc.parallel_loop(i32(0), i32(NBINS), step=jnp.int32(1), unroll=8)
    def _(gidx):
        v = hist[pl.ds(gidx * i32(L), L)]
        s = plsc.cumsum(v)
        plsc.store_scatter(part, [jnp.full((L,), gidx, jnp.int32)], s,
                           mask=last_mask)

    pltpu.sync_copy(part, shared.at[sid])
    plsc.subcore_barrier()

    @pl.when(sid == 0)
    def _():
        pltpu.sync_copy(shared, comb)

        @plsc.parallel_loop(i32(0), i32(NBINS), step=jnp.int32(L), unroll=2)
        def _(j):
            acc = comb[i32(0), pl.ds(j, L)]
            for t in range(1, NS):
                acc = acc + comb[i32(t), pl.ds(j, L)]
            part[pl.ds(j, L)] = acc
        pltpu.sync_copy(part, out_hbm.at[cid])


def _combine_body(p_ref, o_ref):
    o_ref[...] = p_ref[0, :] + p_ref[1, :]


_combine = pl.pallas_call(
    _combine_body, out_shape=jax.ShapeDtypeStruct((NBINS,), jnp.float32))


def kernel(x):
    partials = _hist_sc(x.astype(jnp.int32))
    return _combine(partials).astype(jnp.float64)

# --- scband reference (transcript-rebuilt; emitter-appended) ---
"""Pipeline reference for scband-convert-sparse-68315749810769 (READ-ONLY COPY).

The authoritative reference and input builder live on the scoring server;
editing this copy changes nothing except your own understanding.
"""

import jax, jax.numpy as jnp
import numpy as np

jax.config.update("jax_enable_x64", True)

INPUT_SIZE = 2 * 6 * 64  # 768
N = 1048576


def setup_inputs(seed: int = 0) -> dict:
    key = jax.random.key(seed)
    x = jax.random.randint(key, (N,), 0, INPUT_SIZE, dtype=jnp.int64)
    return {"x": x}


def reference(x):
    # torch.sparse_coo_tensor(indices, ones, size=[INPUT_SIZE]).to_dense():
    # duplicate indices accumulate (coalesce sums values), so this is a
    # scatter-add of ones into a zero vector of length INPUT_SIZE, then cast to double.
    vals = jnp.ones((x.shape[0],), dtype=jnp.float32)
    dense = jnp.zeros((INPUT_SIZE,), dtype=jnp.float32).at[x].add(vals)
    return dense.astype(jnp.float64)

if __name__ == "__main__":
    import jax
    _d = setup_inputs()
    print(jax.jit(kernel)(*tuple(_d.values())))

</pallas_src>

<mosaic_0001>
#map = affine_map<(d0, d1) -> (0)>
#map1 = affine_map<(d0, d1) -> (0, 0)>
module attributes {stable_mosaic.version = 14 : i64} {
  func.func @_hist_sc(%arg0: i32, %arg1: i32, %arg2: memref<1048576xi32, #tpu.memory_space<hbm>>, %arg3: memref<2x768xf32, #tpu.memory_space<hbm>>, %arg4: memref<2x8192xi32, #tpu.memory_space<vmem>>, %arg5: memref<12288xf32, #tpu.memory_space<vmem>>, %arg6: memref<768xf32, #tpu.memory_space<vmem>>, %arg7: memref<16x768xf32, #tpu.memory_space<vmem>>, %arg8: memref<16x768xf32, #tpu.memory_space<vmem_shared>>, %arg9: memref<!tpu.dma_semaphore, #tpu.memory_space<semaphore_mem>>, %arg10: memref<!tpu.dma_semaphore, #tpu.memory_space<semaphore_mem>>) attributes {dimension_semantics = [#tpu.dimension_semantics<core_parallel>, #tpu.dimension_semantics<subcore_parallel>], iteration_bounds = array<i64: 2, 16>, scalar_prefetch = 0 : i64, scratch_operands = 7 : i64, tpu.core_type = #tpu.core_type<sc_vector_subcore>, window_params = [{transform_indices = #map}, {transform_indices = #map1}]} {
    %mul3A = arith.constant 2 : i32
    %mul3A_0 = arith.muli %arg1, %mul3A : i32
    %add3A = arith.addi %mul3A_0, %arg0 : i32
    %mul3A_1 = arith.constant 32768 : i32
    %mul3A_2 = arith.muli %add3A, %mul3A_1 : i32
    %add3A_3 = arith.constant 0 : i32
    %add3A_4 = arith.addi %mul3A_2, %add3A_3 : i32
    %dma_start3A = arith.constant 0 : i32
    %dma_start3A_5 = arith.constant 0 : i32
    %dma_start3A_6 = tpu.memref_slice %arg4[%dma_start3A, %dma_start3A_5] : memref<2x8192xi32, #tpu.memory_space<vmem>> -> memref<1x8192xi32, #tpu.memory_space<vmem>>
    %dma_start3A_7 = tpu.memref_squeeze %dma_start3A_6 : memref<1x8192xi32, #tpu.memory_space<vmem>> -> memref<8192xi32, #tpu.memory_space<vmem>>
    %dma_start3A_8 = tpu.memref_slice %arg2[%add3A_4] : memref<1048576xi32, #tpu.memory_space<hbm>> -> memref<8192xi32, #tpu.memory_space<hbm>>
    %dma_start3A_9 = arith.constant 0 : i32
    %dma_start3A_10 = tpu.memref_slice %arg4[%dma_start3A, %dma_start3A_9] : memref<2x8192xi32, #tpu.memory_space<vmem>> -> memref<1x8192xi32, #tpu.memory_space<vmem>>
    %dma_start3A_11 = tpu.memref_squeeze %dma_start3A_10 : memref<1x8192xi32, #tpu.memory_space<vmem>> -> memref<8192xi32, #tpu.memory_space<vmem>>
    %dma_start3A_12 = tpu.memref_slice %arg2[%add3A_4] : memref<1048576xi32, #tpu.memory_space<hbm>> -> memref<8192xi32, #tpu.memory_space<hbm>>
    tpu.enqueue_dma source(%dma_start3A_12 : memref<8192xi32, #tpu.memory_space<hbm>>) target(%dma_start3A_11 : memref<8192xi32, #tpu.memory_space<vmem>>) target_semaphore(%arg9 : memref<!tpu.dma_semaphore, #tpu.memory_space<semaphore_mem>>)
    %add3A_13 = arith.constant 8192 : i32
    %add3A_14 = arith.addi %mul3A_2, %add3A_13 : i32
    %dma_start3A_15 = arith.constant 1 : i32
    %dma_start3A_16 = arith.constant 0 : i32
    %dma_start3A_17 = tpu.memref_slice %arg4[%dma_start3A_15, %dma_start3A_16] : memref<2x8192xi32, #tpu.memory_space<vmem>> -> memref<1x8192xi32, #tpu.memory_space<vmem>>
    %dma_start3A_18 = tpu.memref_squeeze %dma_start3A_17 : memref<1x8192xi32, #tpu.memory_space<vmem>> -> memref<8192xi32, #tpu.memory_space<vmem>>
    %dma_start3A_19 = tpu.memref_slice %arg2[%add3A_14] : memref<1048576xi32, #tpu.memory_space<hbm>> -> memref<8192xi32, #tpu.memory_space<hbm>>
    %dma_start3A_20 = arith.constant 0 : i32
    %dma_start3A_21 = tpu.memref_slice %arg4[%dma_start3A_15, %dma_start3A_20] : memref<2x8192xi32, #tpu.memory_space<vmem>> -> memref<1x8192xi32, #tpu.memory_space<vmem>>
    %dma_start3A_22 = tpu.memref_squeeze %dma_start3A_21 : memref<1x8192xi32, #tpu.memory_space<vmem>> -> memref<8192xi32, #tpu.memory_space<vmem>>
    %dma_start3A_23 = tpu.memref_slice %arg2[%add3A_14] : memref<1048576xi32, #tpu.memory_space<hbm>> -> memref<8192xi32, #tpu.memory_space<hbm>>
    tpu.enqueue_dma source(%dma_start3A_23 : memref<8192xi32, #tpu.memory_space<hbm>>) target(%dma_start3A_22 : memref<8192xi32, #tpu.memory_space<vmem>>) target_semaphore(%arg10 : memref<!tpu.dma_semaphore, #tpu.memory_space<semaphore_mem>>)
    %broadcast_in_dim3A = arith.constant 0.000000e+00 : f32
    %broadcast_in_dim3A_24 = vector.broadcast %broadcast_in_dim3A : f32 to vector<16xf32>
    %parallel_loop3A = arith.constant 0 : i32
    %parallel_loop3A_25 = arith.constant 12288 : i32
    %parallel_loop3A_26 = arith.constant 16 : i32
    scf.for %parallel_loop3A_106 = %parallel_loop3A to %parallel_loop3A_25 step %parallel_loop3A_26  : i32 {
      %parallel_loop3A_107 = arith.index_cast %parallel_loop3A_106 : i32 to index
      %parallel_loop3A_108 = tpu.vector_load %arg5[%parallel_loop3A_107] {strides = array<i32>} : memref<12288xf32, #tpu.memory_space<vmem>>, vector<16xf32>,
      tpu.vector_store %arg5[%parallel_loop3A_107], %broadcast_in_dim3A_24 {strides = array<i32>} : memref<12288xf32, #tpu.memory_space<vmem>>, vector<16xf32>,
    } {sc.loop_unroll_factor = 8 : i64, sc.parallel_access}
    %iota3A = tpu.iota {dimensions = array<i32: 0>} : vector<16xi32>
    %eq3A = arith.constant 15 : i32
    %eq3A_27 = vector.broadcast %eq3A : i32 to vector<16xi32>
    %eq3A_28 = arith.cmpi eq, %iota3A, %eq3A_27 : vector<16xi32>
    %broadcast_in_dim3A_29 = arith.constant 1.000000e+00 : f32
    %broadcast_in_dim3A_30 = vector.broadcast %broadcast_in_dim3A_29 : f32 to vector<16xf32>
    %dma_wait3A = arith.constant 0 : i32
    %dma_wait3A_31 = arith.constant 0 : i32
    %dma_wait3A_32 = tpu.memref_slice %arg4[%dma_wait3A, %dma_wait3A_31] : memref<2x8192xi32, #tpu.memory_space<vmem>> -> memref<1x8192xi32, #tpu.memory_space<vmem>>
    %dma_wait3A_33 = tpu.memref_squeeze %dma_wait3A_32 : memref<1x8192xi32, #tpu.memory_space<vmem>> -> memref<8192xi32, #tpu.memory_space<vmem>>
    %dma_wait3A_34 = tpu.memref_slice %arg2[%add3A_4] : memref<1048576xi32, #tpu.memory_space<hbm>> -> memref<8192xi32, #tpu.memory_space<hbm>>
    %dma_wait3A_35 = arith.constant 0 : i32
    %dma_wait3A_36 = tpu.memref_slice %arg4[%dma_wait3A, %dma_wait3A_35] : memref<2x8192xi32, #tpu.memory_space<vmem>> -> memref<1x8192xi32, #tpu.memory_space<vmem>>
    %dma_wait3A_37 = tpu.memref_squeeze %dma_wait3A_36 : memref<1x8192xi32, #tpu.memory_space<vmem>> -> memref<8192xi32, #tpu.memory_space<vmem>>
    %dma_wait3A_38 = tpu.memref_slice %arg2[%add3A_4] : memref<1048576xi32, #tpu.memory_space<hbm>> -> memref<8192xi32, #tpu.memory_space<hbm>>
    tpu.wait_dma2 semaphore(%arg9 : memref<!tpu.dma_semaphore, #tpu.memory_space<semaphore_mem>>) src(%dma_wait3A_38 : memref<8192xi32, #tpu.memory_space<hbm>>) dst(%dma_wait3A_37 : memref<8192xi32, #tpu.memory_space<vmem>>)
    %parallel_loop3A_39 = arith.constant 0 : i32
    %parallel_loop3A_40 = arith.constant 8192 : i32
    %parallel_loop3A_41 = arith.constant 16 : i32
    scf.for %parallel_loop3A_106 = %parallel_loop3A_39 to %parallel_loop3A_40 step %parallel_loop3A_41  : i32 {
      %parallel_loop3A_107 = arith.constant 0 : i32
      %parallel_loop3A_108 = arith.index_cast %parallel_loop3A_107 : i32 to index
      %parallel_loop3A_109 = arith.index_cast %parallel_loop3A_106 : i32 to index
      %parallel_loop3A_110 = tpu.vector_load %arg4[%parallel_loop3A_108, %parallel_loop3A_109] {strides = array<i32>} : memref<2x8192xi32, #tpu.memory_space<vmem>>, vector<16xi32>,
      %parallel_loop3A_111 = arith.constant 4 : i32
      %parallel_loop3A_112 = vector.broadcast %parallel_loop3A_111 : i32 to vector<16xi32>
      %parallel_loop3A_113 = arith.shli %parallel_loop3A_110, %parallel_loop3A_112 : vector<16xi32>
      %parallel_loop3A_114 = arith.ori %parallel_loop3A_113, %iota3A : vector<16xi32>
      tpu.vector_store_idx %arg5[%parallel_loop3A_114], %broadcast_in_dim3A_30 {add = true} : memref<12288xf32, #tpu.memory_space<vmem>>[vector<16xi32>], vector<16xf32>,
    } {sc.loop_unroll_factor = 8 : i64, sc.parallel_access}
    %add3A_42 = arith.constant 16384 : i32
    %add3A_43 = arith.addi %mul3A_2, %add3A_42 : i32
    %dma_start3A_44 = arith.constant 0 : i32
    %dma_start3A_45 = arith.constant 0 : i32
    %dma_start3A_46 = tpu.memref_slice %arg4[%dma_start3A_44, %dma_start3A_45] : memref<2x8192xi32, #tpu.memory_space<vmem>> -> memref<1x8192xi32, #tpu.memory_space<vmem>>
    %dma_start3A_47 = tpu.memref_squeeze %dma_start3A_46 : memref<1x8192xi32, #tpu.memory_space<vmem>> -> memref<8192xi32, #tpu.memory_space<vmem>>
    %dma_start3A_48 = tpu.memref_slice %arg2[%add3A_43] : memref<1048576xi32, #tpu.memory_space<hbm>> -> memref<8192xi32, #tpu.memory_space<hbm>>
    %dma_start3A_49 = arith.constant 0 : i32
    %dma_start3A_50 = tpu.memref_slice %arg4[%dma_start3A_44, %dma_start3A_49] : memref<2x8192xi32, #tpu.memory_space<vmem>> -> memref<1x8192xi32, #tpu.memory_space<vmem>>
    %dma_start3A_51 = tpu.memref_squeeze %dma_start3A_50 : memref<1x8192xi32, #tpu.memory_space<vmem>> -> memref<8192xi32, #tpu.memory_space<vmem>>
    %dma_start3A_52 = tpu.memref_slice %arg2[%add3A_43] : memref<1048576xi32, #tpu.memory_space<hbm>> -> memref<8192xi32, #tpu.memory_space<hbm>>
    tpu.enqueue_dma source(%dma_start3A_52 : memref<8192xi32, #tpu.memory_space<hbm>>) target(%dma_start3A_51 : memref<8192xi32, #tpu.memory_space<vmem>>) target_semaphore(%arg9 : memref<!tpu.dma_semaphore, #tpu.memory_space<semaphore_mem>>)
    %dma_wait3A_53 = arith.constant 1 : i32
    %dma_wait3A_54 = arith.constant 0 : i32
    %dma_wait3A_55 = tpu.memref_slice %arg4[%dma_wait3A_53, %dma_wait3A_54] : memref<2x8192xi32, #tpu.memory_space<vmem>> -> memref<1x8192xi32, #tpu.memory_space<vmem>>
    %dma_wait3A_56 = tpu.memref_squeeze %dma_wait3A_55 : memref<1x8192xi32, #tpu.memory_space<vmem>> -> memref<8192xi32, #tpu.memory_space<vmem>>
    %dma_wait3A_57 = tpu.memref_slice %arg2[%add3A_14] : memref<1048576xi32, #tpu.memory_space<hbm>> -> memref<8192xi32, #tpu.memory_space<hbm>>
    %dma_wait3A_58 = arith.constant 0 : i32
    %dma_wait3A_59 = tpu.memref_slice %arg4[%dma_wait3A_53, %dma_wait3A_58] : memref<2x8192xi32, #tpu.memory_space<vmem>> -> memref<1x8192xi32, #tpu.memory_space<vmem>>
    %dma_wait3A_60 = tpu.memref_squeeze %dma_wait3A_59 : memref<1x8192xi32, #tpu.memory_space<vmem>> -> memref<8192xi32, #tpu.memory_space<vmem>>
    %dma_wait3A_61 = tpu.memref_slice %arg2[%add3A_14] : memref<1048576xi32, #tpu.memory_space<hbm>> -> memref<8192xi32, #tpu.memory_space<hbm>>
    tpu.wait_dma2 semaphore(%arg10 : memref<!tpu.dma_semaphore, #tpu.memory_space<semaphore_mem>>) src(%dma_wait3A_61 : memref<8192xi32, #tpu.memory_space<hbm>>) dst(%dma_wait3A_60 : memref<8192xi32, #tpu.memory_space<vmem>>)
    %parallel_loop3A_62 = arith.constant 0 : i32
    %parallel_loop3A_63 = arith.constant 8192 : i32
    %parallel_loop3A_64 = arith.constant 16 : i32
    scf.for %parallel_loop3A_106 = %parallel_loop3A_62 to %parallel_loop3A_63 step %parallel_loop3A_64  : i32 {
      %parallel_loop3A_107 = arith.constant 1 : i32
      %parallel_loop3A_108 = arith.index_cast %parallel_loop3A_107 : i32 to index
      %parallel_loop3A_109 = arith.index_cast %parallel_loop3A_106 : i32 to index
      %parallel_loop3A_110 = tpu.vector_load %arg4[%parallel_loop3A_108, %parallel_loop3A_109] {strides = array<i32>} : memref<2x8192xi32, #tpu.memory_space<vmem>>, vector<16xi32>,
      %parallel_loop3A_111 = arith.constant 4 : i32
      %parallel_loop3A_112 = vector.broadcast %parallel_loop3A_111 : i32 to vector<16xi32>
      %parallel_loop3A_113 = arith.shli %parallel_loop3A_110, %parallel_loop3A_112 : vector<16xi32>
      %parallel_loop3A_114 = arith.ori %parallel_loop3A_113, %iota3A : vector<16xi32>
      tpu.vector_store_idx %arg5[%parallel_loop3A_114], %broadcast_in_dim3A_30 {add = true} : memref<12288xf32, #tpu.memory_space<vmem>>[vector<16xi32>], vector<16xf32>,
    } {sc.loop_unroll_factor = 8 : i64, sc.parallel_access}
    %add3A_65 = arith.constant 24576 : i32
    %add3A_66 = arith.addi %mul3A_2, %add3A_65 : i32
    %dma_start3A_67 = arith.constant 1 : i32
    %dma_start3A_68 = arith.constant 0 : i32
    %dma_start3A_69 = tpu.memref_slice %arg4[%dma_start3A_67, %dma_start3A_68] : memref<2x8192xi32, #tpu.memory_space<vmem>> -> memref<1x8192xi32, #tpu.memory_space<vmem>>
    %dma_start3A_70 = tpu.memref_squeeze %dma_start3A_69 : memref<1x8192xi32, #tpu.memory_space<vmem>> -> memref<8192xi32, #tpu.memory_space<vmem>>
    %dma_start3A_71 = tpu.memref_slice %arg2[%add3A_66] : memref<1048576xi32, #tpu.memory_space<hbm>> -> memref<8192xi32, #tpu.memory_space<hbm>>
    %dma_start3A_72 = arith.constant 0 : i32
    %dma_start3A_73 = tpu.memref_slice %arg4[%dma_start3A_67, %dma_start3A_72] : memref<2x8192xi32, #tpu.memory_space<vmem>> -> memref<1x8192xi32, #tpu.memory_space<vmem>>
    %dma_start3A_74 = tpu.memref_squeeze %dma_start3A_73 : memref<1x8192xi32, #tpu.memory_space<vmem>> -> memref<8192xi32, #tpu.memory_space<vmem>>
    %dma_start3A_75 = tpu.memref_slice %arg2[%add3A_66] : memref<1048576xi32, #tpu.memory_space<hbm>> -> memref<8192xi32, #tpu.memory_space<hbm>>
    tpu.enqueue_dma source(%dma_start3A_75 : memref<8192xi32, #tpu.memory_space<hbm>>) target(%dma_start3A_74 : memref<8192xi32, #tpu.memory_space<vmem>>) target_semaphore(%arg10 : memref<!tpu.dma_semaphore, #tpu.memory_space<semaphore_mem>>)
    %dma_wait3A_76 = arith.constant 0 : i32
    %dma_wait3A_77 = arith.constant 0 : i32
    %dma_wait3A_78 = tpu.memref_slice %arg4[%dma_wait3A_76, %dma_wait3A_77] : memref<2x8192xi32, #tpu.memory_space<vmem>> -> memref<1x8192xi32, #tpu.memory_space<vmem>>
    %dma_wait3A_79 = tpu.memref_squeeze %dma_wait3A_78 : memref<1x8192xi32, #tpu.memory_space<vmem>> -> memref<8192xi32, #tpu.memory_space<vmem>>
    %dma_wait3A_80 = tpu.memref_slice %arg2[%add3A_43] : memref<1048576xi32, #tpu.memory_space<hbm>> -> memref<8192xi32, #tpu.memory_space<hbm>>
    %dma_wait3A_81 = arith.constant 0 : i32
    %dma_wait3A_82 = tpu.memref_slice %arg4[%dma_wait3A_76, %dma_wait3A_81] : memref<2x8192xi32, #tpu.memory_space<vmem>> -> memref<1x8192xi32, #tpu.memory_space<vmem>>
    %dma_wait3A_83 = tpu.memref_squeeze %dma_wait3A_82 : memref<1x8192xi32, #tpu.memory_space<vmem>> -> memref<8192xi32, #tpu.memory_space<vmem>>
    %dma_wait3A_84 = tpu.memref_slice %arg2[%add3A_43] : memref<1048576xi32, #tpu.memory_space<hbm>> -> memref<8192xi32, #tpu.memory_space<hbm>>
    tpu.wait_dma2 semaphore(%arg9 : memref<!tpu.dma_semaphore, #tpu.memory_space<semaphore_mem>>) src(%dma_wait3A_84 : memref<8192xi32, #tpu.memory_space<hbm>>) dst(%dma_wait3A_83 : memref<8192xi32, #tpu.memory_space<vmem>>)
    %parallel_loop3A_85 = arith.constant 0 : i32
    %parallel_loop3A_86 = arith.constant 8192 : i32
    %parallel_loop3A_87 = arith.constant 16 : i32
    scf.for %parallel_loop3A_106 = %parallel_loop3A_85 to %parallel_loop3A_86 step %parallel_loop3A_87  : i32 {
      %parallel_loop3A_107 = arith.constant 0 : i32
      %parallel_loop3A_108 = arith.index_cast %parallel_loop3A_107 : i32 to index
      %parallel_loop3A_109 = arith.index_cast %parallel_loop3A_106 : i32 to index
      %parallel_loop3A_110 = tpu.vector_load %arg4[%parallel_loop3A_108, %parallel_loop3A_109] {strides = array<i32>} : memref<2x8192xi32, #tpu.memory_space<vmem>>, vector<16xi32>,
      %parallel_loop3A_111 = arith.constant 4 : i32
      %parallel_loop3A_112 = vector.broadcast %parallel_loop3A_111 : i32 to vector<16xi32>
      %parallel_loop3A_113 = arith.shli %parallel_loop3A_110, %parallel_loop3A_112 : vector<16xi32>
      %parallel_loop3A_114 = arith.ori %parallel_loop3A_113, %iota3A : vector<16xi32>
      tpu.vector_store_idx %arg5[%parallel_loop3A_114], %broadcast_in_dim3A_30 {add = true} : memref<12288xf32, #tpu.memory_space<vmem>>[vector<16xi32>], vector<16xf32>,
    } {sc.loop_unroll_factor = 8 : i64, sc.parallel_access}
    %dma_wait3A_88 = arith.constant 1 : i32
    %dma_wait3A_89 = arith.constant 0 : i32
    %dma_wait3A_90 = tpu.memref_slice %arg4[%dma_wait3A_88, %dma_wait3A_89] : memref<2x8192xi32, #tpu.memory_space<vmem>> -> memref<1x8192xi32, #tpu.memory_space<vmem>>
    %dma_wait3A_91 = tpu.memref_squeeze %dma_wait3A_90 : memref<1x8192xi32, #tpu.memory_space<vmem>> -> memref<8192xi32, #tpu.memory_space<vmem>>
    %dma_wait3A_92 = tpu.memref_slice %arg2[%add3A_66] : memref<1048576xi32, #tpu.memory_space<hbm>> -> memref<8192xi32, #tpu.memory_space<hbm>>
    %dma_wait3A_93 = arith.constant 0 : i32
    %dma_wait3A_94 = tpu.memref_slice %arg4[%dma_wait3A_88, %dma_wait3A_93] : memref<2x8192xi32, #tpu.memory_space<vmem>> -> memref<1x8192xi32, #tpu.memory_space<vmem>>
    %dma_wait3A_95 = tpu.memref_squeeze %dma_wait3A_94 : memref<1x8192xi32, #tpu.memory_space<vmem>> -> memref<8192xi32, #tpu.memory_space<vmem>>
    %dma_wait3A_96 = tpu.memref_slice %arg2[%add3A_66] : memref<1048576xi32, #tpu.memory_space<hbm>> -> memref<8192xi32, #tpu.memory_space<hbm>>
    tpu.wait_dma2 semaphore(%arg10 : memref<!tpu.dma_semaphore, #tpu.memory_space<semaphore_mem>>) src(%dma_wait3A_96 : memref<8192xi32, #tpu.memory_space<hbm>>) dst(%dma_wait3A_95 : memref<8192xi32, #tpu.memory_space<vmem>>)
    %parallel_loop3A_97 = arith.constant 0 : i32
    %parallel_loop3A_98 = arith.constant 8192 : i32
    %parallel_loop3A_99 = arith.constant 16 : i32
    scf.for %parallel_loop3A_106 = %parallel_loop3A_97 to %parallel_loop3A_98 step %parallel_loop3A_99  : i32 {
      %parallel_loop3A_107 = arith.constant 1 : i32
      %parallel_loop3A_108 = arith.index_cast %parallel_loop3A_107 : i32 to index
      %parallel_loop3A_109 = arith.index_cast %parallel_loop3A_106 : i32 to index
      %parallel_loop3A_110 = tpu.vector_load %arg4[%parallel_loop3A_108, %parallel_loop3A_109] {strides = array<i32>} : memref<2x8192xi32, #tpu.memory_space<vmem>>, vector<16xi32>,
      %parallel_loop3A_111 = arith.constant 4 : i32
      %parallel_loop3A_112 = vector.broadcast %parallel_loop3A_111 : i32 to vector<16xi32>
      %parallel_loop3A_113 = arith.shli %parallel_loop3A_110, %parallel_loop3A_112 : vector<16xi32>
      %parallel_loop3A_114 = arith.ori %parallel_loop3A_113, %iota3A : vector<16xi32>
      tpu.vector_store_idx %arg5[%parallel_loop3A_114], %broadcast_in_dim3A_30 {add = true} : memref<12288xf32, #tpu.memory_space<vmem>>[vector<16xi32>], vector<16xf32>,
    } {sc.loop_unroll_factor = 8 : i64, sc.parallel_access}
    %parallel_loop3A_100 = arith.constant 0 : i32
    %parallel_loop3A_101 = arith.constant 768 : i32
    %parallel_loop3A_102 = arith.constant 1 : i32
    scf.for %parallel_loop3A_106 = %parallel_loop3A_100 to %parallel_loop3A_101 step %parallel_loop3A_102  : i32 {
      %parallel_loop3A_107 = arith.constant 16 : i32
      %parallel_loop3A_108 = arith.muli %parallel_loop3A_106, %parallel_loop3A_107 : i32
      %parallel_loop3A_109 = arith.index_cast %parallel_loop3A_108 : i32 to index
      %parallel_loop3A_110 = tpu.vector_load %arg5[%parallel_loop3A_109] {strides = array<i32>} : memref<12288xf32, #tpu.memory_space<vmem>>, vector<16xf32>,
      %parallel_loop3A_111 = arith.constant true
      %parallel_loop3A_112 = vector.broadcast %parallel_loop3A_111 : i1 to vector<16xi1>
      %parallel_loop3A_113 = tpu.scan <sum>, %parallel_loop3A_110 masked %parallel_loop3A_112 : vector<16xf32>, vector<16xi1> -> vector<16xf32>
      %parallel_loop3A_114 = vector.broadcast %parallel_loop3A_106 : i32 to vector<16xi32>
      tpu.vector_store_idx %arg6[%parallel_loop3A_114], %parallel_loop3A_113 masked %eq3A_28 : memref<768xf32, #tpu.memory_space<vmem>>[vector<16xi32>], vector<16xf32>, vector<16xi1>
    } {sc.loop_unroll_factor = 8 : i64, sc.parallel_access}
    "tpu.region"() ({
      %run_scoped3A = tpu.sem_alloc : memref<!tpu.dma_semaphore, #tpu.memory_space<semaphore_mem>>
      %dma_start3A_106 = arith.constant 0 : i32
      %dma_start3A_107 = tpu.memref_slice %arg8[%arg1, %dma_start3A_106] : memref<16x768xf32, #tpu.memory_space<vmem_shared>> -> memref<1x768xf32, #tpu.memory_space<vmem_shared>>
      %dma_start3A_108 = tpu.memref_squeeze %dma_start3A_107 : memref<1x768xf32, #tpu.memory_space<vmem_shared>> -> memref<768xf32, #tpu.memory_space<vmem_shared>>
      %dma_start3A_109 = arith.constant 0 : i32
      %dma_start3A_110 = tpu.memref_slice %arg8[%arg1, %dma_start3A_109] : memref<16x768xf32, #tpu.memory_space<vmem_shared>> -> memref<1x768xf32, #tpu.memory_space<vmem_shared>>
      %dma_start3A_111 = tpu.memref_squeeze %dma_start3A_110 : memref<1x768xf32, #tpu.memory_space<vmem_shared>> -> memref<768xf32, #tpu.memory_space<vmem_shared>>
      tpu.enqueue_dma source(%arg6 : memref<768xf32, #tpu.memory_space<vmem>>) target(%dma_start3A_111 : memref<768xf32, #tpu.memory_space<vmem_shared>>) target_semaphore(%run_scoped3A : memref<!tpu.dma_semaphore, #tpu.memory_space<semaphore_mem>>)
      %dma_wait3A_112 = arith.constant 0 : i32
      %dma_wait3A_113 = tpu.memref_slice %arg8[%arg1, %dma_wait3A_112] : memref<16x768xf32, #tpu.memory_space<vmem_shared>> -> memref<1x768xf32, #tpu.memory_space<vmem_shared>>
      %dma_wait3A_114 = tpu.memref_squeeze %dma_wait3A_113 : memref<1x768xf32, #tpu.memory_space<vmem_shared>> -> memref<768xf32, #tpu.memory_space<vmem_shared>>
      %dma_wait3A_115 = arith.constant 0 : i32
      %dma_wait3A_116 = tpu.memref_slice %arg8[%arg1, %dma_wait3A_115] : memref<16x768xf32, #tpu.memory_space<vmem_shared>> -> memref<1x768xf32, #tpu.memory_space<vmem_shared>>
      %dma_wait3A_117 = tpu.memref_squeeze %dma_wait3A_116 : memref<1x768xf32, #tpu.memory_space<vmem_shared>> -> memref<768xf32, #tpu.memory_space<vmem_shared>>
      tpu.wait_dma2 semaphore(%run_scoped3A : memref<!tpu.dma_semaphore, #tpu.memory_space<semaphore_mem>>) src(%arg6 : memref<768xf32, #tpu.memory_space<vmem>>) dst(%dma_wait3A_117 : memref<768xf32, #tpu.memory_space<vmem_shared>>)
      tpu.yield
    }) : () -> ()
    %barrier3A = arith.constant 0 : index
    tpu.barrier barrier_id(%barrier3A)
    %eq3A_103 = arith.constant 0 : i32
    %eq3A_104 = arith.cmpi eq, %arg1, %eq3A_103 : i32
    %convert_element_type3A = arith.extui %eq3A_104 : i1 to i32
    %cond3A = arith.constant 0 : i32
    %cond3A_105 = arith.cmpi ne, %convert_element_type3A, %cond3A : i32
    scf.if %cond3A_105 {
      "tpu.region"() ({
        %run_scoped3A = tpu.sem_alloc : memref<!tpu.dma_semaphore, #tpu.memory_space<semaphore_mem>>
        tpu.enqueue_dma source(%arg8 : memref<16x768xf32, #tpu.memory_space<vmem_shared>>) target(%arg7 : memref<16x768xf32, #tpu.memory_space<vmem>>) target_semaphore(%run_scoped3A : memref<!tpu.dma_semaphore, #tpu.memory_space<semaphore_mem>>)
        tpu.wait_dma2 semaphore(%run_scoped3A : memref<!tpu.dma_semaphore, #tpu.memory_space<semaphore_mem>>) src(%arg8 : memref<16x768xf32, #tpu.memory_space<vmem_shared>>) dst(%arg7 : memref<16x768xf32, #tpu.memory_space<vmem>>)
        tpu.yield
      }) : () -> ()
      %parallel_loop3A_106 = arith.constant 0 : i32
      %parallel_loop3A_107 = arith.constant 768 : i32
      %parallel_loop3A_108 = arith.constant 16 : i32
      scf.for %parallel_loop3A_109 = %parallel_loop3A_106 to %parallel_loop3A_107 step %parallel_loop3A_108  : i32 {
        %parallel_loop3A_110 = arith.constant 0 : i32
        %parallel_loop3A_111 = arith.index_cast %parallel_loop3A_110 : i32 to index
        %parallel_loop3A_112 = arith.index_cast %parallel_loop3A_109 : i32 to index
        %parallel_loop3A_113 = tpu.vector_load %arg7[%parallel_loop3A_111, %parallel_loop3A_112] {strides = array<i32>} : memref<16x768xf32, #tpu.memory_space<vmem>>, vector<16xf32>,
        %parallel_loop3A_114 = arith.constant 1 : i32
        %parallel_loop3A_115 = arith.index_cast %parallel_loop3A_114 : i32 to index
        %parallel_loop3A_116 = arith.index_cast %parallel_loop3A_109 : i32 to index
        %parallel_loop3A_117 = tpu.vector_load %arg7[%parallel_loop3A_115, %parallel_loop3A_116] {strides = array<i32>} : memref<16x768xf32, #tpu.memory_space<vmem>>, vector<16xf32>,
        %parallel_loop3A_118 = arith.addf %parallel_loop3A_113, %parallel_loop3A_117 : vector<16xf32>
        %parallel_loop3A_119 = arith.constant 2 : i32
        %parallel_loop3A_120 = arith.index_cast %parallel_loop3A_119 : i32 to index
        %parallel_loop3A_121 = arith.index_cast %parallel_loop3A_109 : i32 to index
        %parallel_loop3A_122 = tpu.vector_load %arg7[%parallel_loop3A_120, %parallel_loop3A_121] {strides = array<i32>} : memref<16x768xf32, #tpu.memory_space<vmem>>, vector<16xf32>,
        %parallel_loop3A_123 = arith.addf %parallel_loop3A_118, %parallel_loop3A_122 : vector<16xf32>
        %parallel_loop3A_124 = arith.constant 3 : i32
        %parallel_loop3A_125 = arith.index_cast %parallel_loop3A_124 : i32 to index
        %parallel_loop3A_126 = arith.index_cast %parallel_loop3A_109 : i32 to index
        %parallel_loop3A_127 = tpu.vector_load %arg7[%parallel_loop3A_125, %parallel_loop3A_126] {strides = array<i32>} : memref<16x768xf32, #tpu.memory_space<vmem>>, vector<16xf32>,
        %parallel_loop3A_128 = arith.addf %parallel_loop3A_123, %parallel_loop3A_127 : vector<16xf32>
        %parallel_loop3A_129 = arith.constant 4 : i32
        %parallel_loop3A_130 = arith.index_cast %parallel_loop3A_129 : i32 to index
        %parallel_loop3A_131 = arith.index_cast %parallel_loop3A_109 : i32 to index
        %parallel_loop3A_132 = tpu.vector_load %arg7[%parallel_loop3A_130, %parallel_loop3A_131] {strides = array<i32>} : memref<16x768xf32, #tpu.memory_space<vmem>>, vector<16xf32>,
        %parallel_loop3A_133 = arith.addf %parallel_loop3A_128, %parallel_loop3A_132 : vector<16xf32>
        %parallel_loop3A_134 = arith.constant 5 : i32
        %parallel_loop3A_135 = arith.index_cast %parallel_loop3A_134 : i32 to index
        %parallel_loop3A_136 = arith.index_cast %parallel_loop3A_109 : i32 to index
        %parallel_loop3A_137 = tpu.vector_load %arg7[%parallel_loop3A_135, %parallel_loop3A_136] {strides = array<i32>} : memref<16x768xf32, #tpu.memory_space<vmem>>, vector<16xf32>,
        %parallel_loop3A_138 = arith.addf %parallel_loop3A_133, %parallel_loop3A_137 : vector<16xf32>
        %parallel_loop3A_139 = arith.constant 6 : i32
        %parallel_loop3A_140 = arith.index_cast %parallel_loop3A_139 : i32 to index
        %parallel_loop3A_141 = arith.index_cast %parallel_loop3A_109 : i32 to index
        %parallel_loop3A_142 = tpu.vector_load %arg7[%parallel_loop3A_140, %parallel_loop3A_141] {strides = array<i32>} : memref<16x768xf32, #tpu.memory_space<vmem>>, vector<16xf32>,
        %parallel_loop3A_143 = arith.addf %parallel_loop3A_138, %parallel_loop3A_142 : vector<16xf32>
        %parallel_loop3A_144 = arith.constant 7 : i32
        %parallel_loop3A_145 = arith.index_cast %parallel_loop3A_144 : i32 to index
        %parallel_loop3A_146 = arith.index_cast %parallel_loop3A_109 : i32 to index
        %parallel_loop3A_147 = tpu.vector_load %arg7[%parallel_loop3A_145, %parallel_loop3A_146] {strides = array<i32>} : memref<16x768xf32, #tpu.memory_space<vmem>>, vector<16xf32>,
        %parallel_loop3A_148 = arith.addf %parallel_loop3A_143, %parallel_loop3A_147 : vector<16xf32>
        %parallel_loop3A_149 = arith.constant 8 : i32
        %parallel_loop3A_150 = arith.index_cast %parallel_loop3A_149 : i32 to index
        %parallel_loop3A_151 = arith.index_cast %parallel_loop3A_109 : i32 to index
        %parallel_loop3A_152 = tpu.vector_load %arg7[%parallel_loop3A_150, %parallel_loop3A_151] {strides = array<i32>} : memref<16x768xf32, #tpu.memory_space<vmem>>, vector<16xf32>,
        %parallel_loop3A_153 = arith.addf %parallel_loop3A_148, %parallel_loop3A_152 : vector<16xf32>
        %parallel_loop3A_154 = arith.constant 9 : i32
        %parallel_loop3A_155 = arith.index_cast %parallel_loop3A_154 : i32 to index
        %parallel_loop3A_156 = arith.index_cast %parallel_loop3A_109 : i32 to index
        %parallel_loop3A_157 = tpu.vector_load %arg7[%parallel_loop3A_155, %parallel_loop3A_156] {strides = array<i32>} : memref<16x768xf32, #tpu.memory_space<vmem>>, vector<16xf32>,
        %parallel_loop3A_158 = arith.addf %parallel_loop3A_153, %parallel_loop3A_157 : vector<16xf32>
        %parallel_loop3A_159 = arith.constant 10 : i32
        %parallel_loop3A_160 = arith.index_cast %parallel_loop3A_159 : i32 to index
        %parallel_loop3A_161 = arith.index_cast %parallel_loop3A_109 : i32 to index
        %parallel_loop3A_162 = tpu.vector_load %arg7[%parallel_loop3A_160, %parallel_loop3A_161] {strides = array<i32>} : memref<16x768xf32, #tpu.memory_space<vmem>>, vector<16xf32>,
        %parallel_loop3A_163 = arith.addf %parallel_loop3A_158, %parallel_loop3A_162 : vector<16xf32>
        %parallel_loop3A_164 = arith.constant 11 : i32
        %parallel_loop3A_165 = arith.index_cast %parallel_loop3A_164 : i32 to index
        %parallel_loop3A_166 = arith.index_cast %parallel_loop3A_109 : i32 to index
        %parallel_loop3A_167 = tpu.vector_load %arg7[%parallel_loop3A_165, %parallel_loop3A_166] {strides = array<i32>} : memref<16x768xf32, #tpu.memory_space<vmem>>, vector<16xf32>,
        %parallel_loop3A_168 = arith.addf %parallel_loop3A_163, %parallel_loop3A_167 : vector<16xf32>
        %parallel_loop3A_169 = arith.constant 12 : i32
        %parallel_loop3A_170 = arith.index_cast %parallel_loop3A_169 : i32 to index
        %parallel_loop3A_171 = arith.index_cast %parallel_loop3A_109 : i32 to index
        %parallel_loop3A_172 = tpu.vector_load %arg7[%parallel_loop3A_170, %parallel_loop3A_171] {strides = array<i32>} : memref<16x768xf32, #tpu.memory_space<vmem>>, vector<16xf32>,
        %parallel_loop3A_173 = arith.addf %parallel_loop3A_168, %parallel_loop3A_172 : vector<16xf32>
        %parallel_loop3A_174 = arith.constant 13 : i32
        %parallel_loop3A_175 = arith.index_cast %parallel_loop3A_174 : i32 to index
        %parallel_loop3A_176 = arith.index_cast %parallel_loop3A_109 : i32 to index
        %parallel_loop3A_177 = tpu.vector_load %arg7[%parallel_loop3A_175, %parallel_loop3A_176] {strides = array<i32>} : memref<16x768xf32, #tpu.memory_space<vmem>>, vector<16xf32>,
        %parallel_loop3A_178 = arith.addf %parallel_loop3A_173, %parallel_loop3A_177 : vector<16xf32>
        %parallel_loop3A_179 = arith.constant 14 : i32
        %parallel_loop3A_180 = arith.index_cast %parallel_loop3A_179 : i32 to index
        %parallel_loop3A_181 = arith.index_cast %parallel_loop3A_109 : i32 to index
        %parallel_loop3A_182 = tpu.vector_load %arg7[%parallel_loop3A_180, %parallel_loop3A_181] {strides = array<i32>} : memref<16x768xf32, #tpu.memory_space<vmem>>, vector<16xf32>,
        %parallel_loop3A_183 = arith.addf %parallel_loop3A_178, %parallel_loop3A_182 : vector<16xf32>
        %parallel_loop3A_184 = arith.constant 15 : i32
        %parallel_loop3A_185 = arith.index_cast %parallel_loop3A_184 : i32 to index
        %parallel_loop3A_186 = arith.index_cast %parallel_loop3A_109 : i32 to index
        %parallel_loop3A_187 = tpu.vector_load %arg7[%parallel_loop3A_185, %parallel_loop3A_186] {strides = array<i32>} : memref<16x768xf32, #tpu.memory_space<vmem>>, vector<16xf32>,
        %parallel_loop3A_188 = arith.addf %parallel_loop3A_183, %parallel_loop3A_187 : vector<16xf32>
        %parallel_loop3A_189 = arith.index_cast %parallel_loop3A_109 : i32 to index
        %parallel_loop3A_190 = tpu.vector_load %arg6[%parallel_loop3A_189] {strides = array<i32>} : memref<768xf32, #tpu.memory_space<vmem>>, vector<16xf32>,
        tpu.vector_store %arg6[%parallel_loop3A_189], %parallel_loop3A_188 {strides = array<i32>} : memref<768xf32, #tpu.memory_space<vmem>>, vector<16xf32>,
      } {sc.loop_unroll_factor = 2 : i64, sc.parallel_access}
      "tpu.region"() ({
        %run_scoped3A = tpu.sem_alloc : memref<!tpu.dma_semaphore, #tpu.memory_space<semaphore_mem>>
        %dma_start3A_109 = arith.constant 0 : i32
        %dma_start3A_110 = tpu.memref_slice %arg3[%arg0, %dma_start3A_109] : memref<2x768xf32, #tpu.memory_space<hbm>> -> memref<1x768xf32, #tpu.memory_space<hbm>>
        %dma_start3A_111 = tpu.memref_squeeze %dma_start3A_110 : memref<1x768xf32, #tpu.memory_space<hbm>> -> memref<768xf32, #tpu.memory_space<hbm>>
        %dma_start3A_112 = arith.constant 0 : i32
        %dma_start3A_113 = tpu.memref_slice %arg3[%arg0, %dma_start3A_112] : memref<2x768xf32, #tpu.memory_space<hbm>> -> memref<1x768xf32, #tpu.memory_space<hbm>>
        %dma_start3A_114 = tpu.memref_squeeze %dma_start3A_113 : memref<1x768xf32, #tpu.memory_space<hbm>> -> memref<768xf32, #tpu.memory_space<hbm>>
        tpu.enqueue_dma source(%arg6 : memref<768xf32, #tpu.memory_space<vmem>>) target(%dma_start3A_114 : memref<768xf32, #tpu.memory_space<hbm>>) target_semaphore(%run_scoped3A : memref<!tpu.dma_semaphore, #tpu.memory_space<semaphore_mem>>)
        %dma_wait3A_115 = arith.constant 0 : i32
        %dma_wait3A_116 = tpu.memref_slice %arg3[%arg0, %dma_wait3A_115] : memref<2x768xf32, #tpu.memory_space<hbm>> -> memref<1x768xf32, #tpu.memory_space<hbm>>
        %dma_wait3A_117 = tpu.memref_squeeze %dma_wait3A_116 : memref<1x768xf32, #tpu.memory_space<hbm>> -> memref<768xf32, #tpu.memory_space<hbm>>
        %dma_wait3A_118 = arith.constant 0 : i32
        %dma_wait3A_119 = tpu.memref_slice %arg3[%arg0, %dma_wait3A_118] : memref<2x768xf32, #tpu.memory_space<hbm>> -> memref<1x768xf32, #tpu.memory_space<hbm>>
        %dma_wait3A_120 = tpu.memref_squeeze %dma_wait3A_119 : memref<1x768xf32, #tpu.memory_space<hbm>> -> memref<768xf32, #tpu.memory_space<hbm>>
        tpu.wait_dma2 semaphore(%run_scoped3A : memref<!tpu.dma_semaphore, #tpu.memory_space<semaphore_mem>>) src(%arg6 : memref<768xf32, #tpu.memory_space<vmem>>) dst(%dma_wait3A_120 : memref<768xf32, #tpu.memory_space<hbm>>)
        tpu.yield
      }) : () -> ()
    } else {
    }
    return
  }
}

module attributes {stable_mosaic.version = 14 : i64} {
  func.func @_combine_body(%arg0: memref<2x768xf32, #tpu.memory_space<vmem>>, %arg1: memref<768xf32, #tpu.memory_space<vmem>>) attributes {dimension_semantics = [], scalar_prefetch = 0 : i64, scratch_operands = 0 : i64, tpu.core_type = #tpu.core_type<tc>} {
    %get3A = arith.constant 0 : index
    %get3A_0 = arith.constant 0 : index
    %get3A_1 = vector.load %arg0[%get3A, %get3A_0] : memref<2x768xf32, #tpu.memory_space<vmem>>, vector<1x768xf32>
    %get3A_2 = vector.shape_cast %get3A_1 : vector<1x768xf32> to vector<768xf32>
    %get3A_3 = arith.constant 1 : index
    %get3A_4 = arith.constant 0 : index
    %get3A_5 = vector.load %arg0[%get3A_3, %get3A_4] : memref<2x768xf32, #tpu.memory_space<vmem>>, vector<1x768xf32>
    %get3A_6 = vector.shape_cast %get3A_5 : vector<1x768xf32> to vector<768xf32>
    %add3A = arith.addf %get3A_2, %get3A_6 : vector<768xf32>
    %swap3A = arith.constant 0 : index
    %swap3A_7 = vector.load %arg1[%swap3A] : memref<768xf32, #tpu.memory_space<vmem>>, vector<768xf32>
    tpu.vector_store %arg1[%swap3A], %add3A {strides = array<i32>} : memref<768xf32, #tpu.memory_space<vmem>>, vector<768xf32>,
    return
  }
}

</mosaic_0001>

<sc_bundles>
// kernel: kernel.4.cloned.1.call-start
scs
__scs_entry_jumppad:
0x0: {  	(pc) =	sbr.rel $0x88, $3  }
0x1: {  	(tag) =	ssettag $0x0;
	lr =	simm.s32 $0x1  }
0x2: {  	[smem:$0x3FA0] =	sst lr;
	_ =	strace $0xD0000000  }
0x3: {  	_ = 	snop  }
0x4: {  	_ = 	snop  }
0x5: {  	_ = 	snop  }
0x6: {  	_ = 	snop  }
0x7: {  	_ = 	snop  }
__scs_overlays_trampoline_lowered:
0x8: {  	[smem:$0x3FAF] =	sst s0  }
0x9: {  	[smem:$0x3FB0] =	sst s1  }
0xa: {  	[smem:$0x3FB1] =	sst s2  }
0xb: {  	[smem:$0x3FB2] =	sst s3  }
0xc: {  	[smem:$0x3FB3] =	sst s4  }
0xd: {  	[smem:$0x3FB4] =	sst s5  }
0xe: {  	[smem:$0x3FB5] =	sst s6  }
0xf: {  	[smem:$0x3FB6] =	sst s7  }
0x10: {  	[smem:$0x3FB7] =	sst s8  }
0x11: {  	[smem:$0x3FB8] =	sst s9;
	s0 =	simm.s32 @!p0 $0x0  }
0x12: {  	s1 =	sld [smem:$0x3F9E];
	s0 =	simm.s32 @p0 $0x1  }
0x13: {  	[smem:$0x3FB9] =	sst s0;
	s0 =	simm.s32 @!p1 $0x0  }
0x14: {  	s2 =	sld [smem:$0x3F9D];
	s0 =	simm.s32 @p1 $0x1  }
0x15: {  	[smem:$0x3FBA] =	sst s0;
	s0 =	simm.s32 @!p2 $0x0  }
0x16: {  	s3 =	sld [smem:$0x3FDB];
	s0 =	simm.s32 @p2 $0x1  }
0x17: {  	s4 =	simm.s32 $0x1BF5;
	[smem:$0x3FBC] =	sst s0  }
0x18: {  	s0 =	sld [smem:$0x3F9F];
	_ =	swait.ge [sflag:s4], $0x0  }
0x19: {  	s7 =	sld [smem:$0x3FA0]  }
0x1a: {  	s8 =	sadd.s32 $0xFFFFE003, lr  }
0x1b: {  	s9 =	sadd.s32 $0xFFFFFEF7, lr;
	s5 =	simm.s32 $0xFFFFFFFF;
	p2 =	slt.u32 s8, $0xFFFFF086  }
0x1c: {  	p1 =	slt.u32 s9, $0xF7A;
	s5 =	simm.s32 @!p2 $0x0  }
0x1d: {  	s5 =	simm.s32 @p1 $0x1;
	p0 =	seq.s32 s7, s2  }
0x1e: {  	s7 =	smul.u32 @!p0 $0xF7A, s2;
	p2 =	seq.s32 @!p0 s5, $0x0  }
0x1f: {  	s9 =	smul.u32 $0xF7A, s1;
	s8 =	simm.s32 @!p0 $0x1BF5;
	p2 =	por !p2, p0  }
0x20: {  	[sflag:s8] =	ssyncset.s32 @!p0 $0xFFFFF086;
	s6 =	sadd.s32 @!p0 s3, s7;
	s7 =	simm.s32 @!p0 $0x108  }
0x21: {  	s3 =	sadd.s32 s3, s9;
	s6 =	sadd.s32 @!p0 $0x88, s6;
	s7 =	simm.s32 @p2 $0x1082  }
0x22: {  	[simem:s7], [sflag:s8] =	dma.local @!p0 [hbm:s6], $0xF7A  }
0x23: {  	s9 =	sor.u32 $0xD0000000, s2;
	s6 =	simm.s32 $0x108;
	_ =	swait.ge @!p0 [sflag:s8], $0x0  }
0x24: {  	s3 =	sadd.s32 $0x88, s3;
	s6 =	simm.s32 @!p1 $0x1082;
	[sflag:s4] =	ssyncset.s32 $0xFFFFF086  }
0x25: {  	[simem:s6], [sflag:s4] =	dma.local [hbm:s3], $0xF7A  }
0x26: {  	[smem:$0x3FA0] =	sst s1;
	(tag) =	ssettag s2;
	_ =	strace s9  }
0x27: {  	s1 =	sld [smem:$0x3FB0]  }
0x28: {  	s2 =	sld [smem:$0x3FB1]  }
0x29: {  	s4 =	sld [smem:$0x3FB3]  }
0x2a: {  	p0 =	seq.s32 s5, $0x0;
	s5 =	sld [smem:$0x3FB4]  }
0x2b: {  	s6 =	sld [smem:$0x3FB5]  }
0x2c: {  	s7 =	sld [smem:$0x3FB6]  }
0x2d: {  	s3 =	simm.s32 $0x108;
	s8 =	sld [smem:$0x3FB7]  }
0x2e: {  	s3 =	simm.s32 @!p0 $0x1082;
	s9 =	sld [smem:$0x3FB8]  }
0x2f: {  	lr =	sadd.s32 s0, s3;
	s0 =	sld [smem:$0x3FAF]  }
0x30: {  	s3 =	sld [smem:$0x3FB2]  }
0x31: {  	[smem:$0x3FBB] =	sst s10  }
0x32: {  	s10 =	sld [smem:$0x3FB9];
	_ =	sdelay $0x3  }
0x33: {  	p0 =	seq.s32 s10, $0x1;
	s10 =	sld [smem:$0x3FBB];
	_ =	sdelay $0x3  }
0x34: {  	[smem:$0x3FBB] =	sst s10  }
0x35: {  	s10 =	sld [smem:$0x3FBA];
	_ =	sdelay $0x3  }
0x36: {  	p1 =	seq.s32 s10, $0x1;
	s10 =	sld [smem:$0x3FBB];
	_ =	sdelay $0x3  }
0x37: {  	[smem:$0x3FBB] =	sst s10  }
0x38: {  	s10 =	sld [smem:$0x3FBC]  }
0x39: {  	_ = 	snop;
	(pc) =	sbr.ind lr, $3  }
0x3a: {  	_ = 	snop  }
0x3b: {  	_ = 	snop  }
0x3c: {  	p2 =	seq.s32 s10, $0x1;
	s10 =	sld [smem:$0x3FBB]  }
0x3d: {  	_ =	shalt  }
0x3e: {  	_ =	shalt  }
0x3f: {  	_ =	shalt  }
0x40: {  	_ =	shalt  }
0x41: {  	_ =	shalt  }
0x42: {  	_ =	shalt  }
0x43: {  	_ =	shalt  }
0x44: {  	_ =	shalt  }
0x45: {  	_ =	shalt  }
0x46: {  	_ =	shalt  }
0x47: {  	_ =	shalt  }
0x48: {  	_ =	shalt  }
0x49: {  	_ =	shalt  }
0x4a: {  	_ =	shalt  }
0x4b: {  	_ =	shalt  }
0x4c: {  	_ =	shalt  }
0x4d: {  	_ =	shalt  }
0x4e: {  	_ =	shalt  }
0x4f: {  	_ =	shalt  }
0x50: {  	_ =	shalt  }
0x51: {  	_ =	shalt  }
0x52: {  	_ =	shalt  }
0x53: {  	_ =	shalt  }
0x54: {  	_ =	shalt  }
0x55: {  	_ =	shalt  }
0x56: {  	_ =	shalt  }
0x57: {  	_ =	shalt  }
0x58: {  	_ =	shalt  }
0x59: {  	_ =	shalt  }
0x5a: {  	_ =	shalt  }
0x5b: {  	_ =	shalt  }
0x5c: {  	_ =	shalt  }
0x5d: {  	_ =	shalt  }
0x5e: {  	_ =	shalt  }
0x5f: {  	_ =	shalt  }
0x60: {  	_ =	shalt  }
0x61: {  	_ =	shalt  }
0x62: {  	_ =	shalt  }
0x63: {  	_ =	shalt  }
0x64: {  	_ =	shalt  }
0x65: {  	_ =	shalt  }
0x66: {  	_ =	shalt  }
0x67: {  	_ =	shalt  }
0x68: {  	_ =	shalt  }
0x69: {  	_ =	shalt  }
0x6a: {  	_ =	shalt  }
0x6b: {  	_ =	shalt  }
0x6c: {  	_ =	shalt  }
0x6d: {  	_ =	shalt  }
0x6e: {  	_ =	shalt  }
0x6f: {  	_ =	shalt  }
0x70: {  	_ =	shalt  }
0x71: {  	_ =	shalt  }
0x72: {  	_ =	shalt  }
0x73: {  	_ =	shalt  }
0x74: {  	_ =	shalt  }
0x75: {  	_ =	shalt  }
0x76: {  	_ =	shalt  }
0x77: {  	_ =	shalt  }
0x78: {  	_ =	shalt  }
0x79: {  	_ =	shalt  }
0x7a: {  	_ =	shalt  }
0x7b: {  	_ =	shalt  }
0x7c: {  	_ =	shalt  }
0x7d: {  	_ =	shalt  }
0x7e: {  	_ =	shalt  }
0x7f: {  	_ =	shalt  }
0x80: {  	_ =	shalt  }
0x81: {  	_ =	shalt  }
0x82: {  	_ =	shalt  }
0x83: {  	_ =	shalt  }
0x84: {  	_ =	shalt  }
0x85: {  	_ =	shalt  }
0x86: {  	_ =	shalt  }
0x87: {  	_ =	shalt  }
.Lfunc_end0:
.L_simem_size_0:
called_computation_lowered:
.L_overlay_start_0:
0x88: {  	s2 =	sld [smem:$0x3FD9]  }
0x89: {  	s3 =	sld [smem:$0x3FFE];
	_ =	sdelay $0x1  }
0x8a: {  	s1 =	srdreg.scid  }
0x8b: {  	s0 =	sand.u32 $0x1, s1  }
0x8c: {  	s17 =	sshll.u32 s0, $0xA;
	s2 =	sadd.s32 s3, s2  }
0x8d: {  	s2 =	sadd.s32 s2, s17  }
0x8e: {  	[smem:$0x3FC7] =	sst s2  }
0x8f: {  	_ = 	snop  }
0x90: {  	s2 =	sld [smem:$0x3FD0];
	(tm) =	ssettm $0x1  }
0x91: {  	s18 =	sld [smem:$0x3FFB];
	_ =	sdelay $0x3  }
0x92: {  	_ =	strace s18  }
0x93: {  	s3 =	sld [smem:$0x3FFC];
	_ =	sdelay $0x3  }
0x94: {  	_ =	strace s3  }
0x95: {  	s3 =	sld [smem:$0x3FFD];
	_ =	sdelay $0x3  }
0x96: {  	_ =	strace s3  }
0x97: {  	_ =	strace $0x8FFFFFFF  }
0x98: {  	s19 =	sld [smem:$0x3FDB];
	_ =	sdelay $0x1  }
0x99: {  	s4 =	simm.s32 $_scs_section_size  }
0x9a: {  	s5 =	simm.s32 $_size__tile_overlayer_lowered;
	s6 =	simm.s32 $_tile_overlayer_lowered  }
0x9b: {  	s22 =	simm.s32 $0x1BFF;
	s21 =	sshll.u32 s6, $0x1;
	s3 =	sadd.s32 s4, s19  }
0x9c: {  	s7 =	simm.s32 $0x0;
	s20 =	sshll.u32 s5, $0x1;
	s5 =	sadd.s32 s21, s3  }
0x9d: {  	[timem:s7], [sflag:s22] =	dma.local [hbm:s5], s20  }
0x9e: {  	_ =	swait.ge [sflag:s22], s20  }
0x9f: {  	s4 =	ssub.s32 $0x0, s20;
	[sflag:s22] =	ssyncset.done $0x0  }
0xa0: {  	[sflag:s22] =	ssyncadd.s32 s4;
	_ =	sdelay $0x1  }
0xa1: {  	s23 =	simm.s32 $0x1B8B  }
0xa2: {  	_ =	swait.ge [sflag:s23], $0x1  }
0xa3: {  	[sflag:s23] =	ssyncset.done $0x0  }
0xa4: {  	s25 =	simm.s32 $0x1B8E;
	s24 =	sld [smem:$0x3FFE];
	[sflag:s23] =	ssyncadd.s32 $0xFFFFFFFF  }
0xa5: {  	s26 =	simm.s32 $execute0_lowered;
	[smem:$0x3FD2] =	sst s25  }
0xa6: {  	s5 =	sshll.u32 s26, $0x1;
	_ =	strace $0x80000046;
	[dreg:$0x1] =	wrdreg $0xFFFFFFFF  }
0xa7: {  	s28 =	simm.s32 $_size_execute0_lowered;
	s3 =	sadd.s32 s3, s5;
	[dreg:$0x0] =	wrdreg $0x0  }
0xa8: {  	s5 =	sshll.u32 s28, $0x1;
	[dreg:$0x2] =	wrdreg s3  }
0xa9: {  	[dreg:$0x3] =	wrdreg s5  }
0xaa: {  	[dreg:$0x4] =	wrdreg $0xC0  }
0xab: {  	_ =	task [dreg:s7], $0x5FFFF  }
0xac: {  	[dreg:$0x1] =	wrdreg $0xFFFFFFFF  }
0xad: {  	[dreg:$0x0] =	wrdreg $0x60  }
0xae: {  	[dreg:$0x2] =	wrdreg s24  }
0xaf: {  	[dreg:$0x3] =	wrdreg s2  }
0xb0: {  	[dreg:$0x4] =	wrdreg $0xA3000  }
0xb1: {  	[dreg:$0x5] =	wrdreg $0x9  }
0xb2: {  	_ =	task.clear_ibuf [dreg:s7], $0x6FFFF;
	_ =	strace $0x90000046  }
0xb3: {  	s29 =	simm.s32 $0x9;
	_ =	strace $0x80000048  }
0xb4: {  	_ =	swait.ge [sflag:s29], $0x1  }
0xb5: {  	[sflag:s29] =	ssyncadd.s32 $0xFFFFFFFF  }
0xb6: {  	_ =	strace $0x90000048  }
0xb7: {  	_ =	sfence  }
0xb8: {  	s30 =	sld [smem:$0x0];
	_ =	sdelay $0x2  }
0xb9: {  	s31 =	sshll.u32 s1, $0xD;
	s1 =	sshrl.u32 s1, $0x2  }
0xba: {  	s3 =	sand.u32 $0x4000, s31;
	s1 =	sadd.s32 s1, s30  }
0xbb: {  	s0 =	sor.u32 s3, s0;
	s1 =	sshll.u32 s1, $0x11  }
0xbc: {  	s0 =	sor.u32 s1, s0  }
0xbd: {  	s0 =	sadd.s32 $0x8F2B, s0  }
0xbe: {  	[sflag:s0] =	ssyncadd.remote.s32 $0x1  }
0xbf: {  	_ =	sfence.sel $0xFFFF  }
0xc0: {  	[dreg:$0x0] =	wrdreg $0xFFFFFFFF;
	(pc) =	sbr.abs _section_cstart, $3  }
0xc1: {  	[dreg:$0x1] =	wrdreg $0xFFFFFFFF  }
0xc2: {  	_ =	task.clear_ibuf [dreg:s7], $0x2FFFF;
	_ =	strace $0x9FFFFFFF  }
0xc3: {  	(tm) =	ssettm $0x7FFFFFFF  }
tec
execute0_lowered:
.L_overlay_start_1:
0x0: {  	(tag) =	ssettag $0x1  }
0x1: {  	s3 =	rddreg [dreg:$0x0]  }
0x2: {  	s8 =	rddreg [dreg:$0x1]  }
0x3: {  	s1 =	rddreg [dreg:$0x2]  }
0x4: {  	s2 =	simm.s32 $0x0;
	s4 =	srdreg.scid;
	s14 =	stileid.u32  }
0x5: {  	s13 =	simm.s32 $0x7000;
	s15 =	simm.s32 $0x400;
	s16 =	simm.s32 $0x3  }
0x6: {  	s17 =	simm.s32 $0x7300;
	s18 =	simm.s32 $0x100;
	s19 =	simm.s32 $0x0  }
0x7: {  	[smem:$0x7FF] =	sst s2;
	s6 =	sand.u32 $0x1, s4;
	s29 =	sshll.u32 s14, $0xD  }
0x8: {  	s7 =	sshrl.u32 s14, $0x3;
	s11 =	sshll.u32 s14, $0x7;
	p0 =	sne.s32 s14, $0x0  }
0x9: {  	s14 =	simm.s32 $0x80;
	_ =	strace $0x80000047;
	s5 =	sshll.u32 s6, $0xC  }
0xa: {  	s30 =	ssub.s32 $0x2, s6;
	s7 =	smul.u32 $0x6000, s7;
	s11 =	sand.u32 $0x380, s11  }
0xb: {  	s12 =	sshll.u32 s6, $0x4;
	s4 =	sor.u32 s5, s29;
	s31 =	sshrl.u32 s30, $0x1  }
.Ltmp0:
0xc: {  	s8 =	sadd.s32 s8, s12;
	s12 =	simm.s32 $0x2;
	(pc) =	sbr.rel .LBB2_1-.Ltmp0, $4  }
0xd: {  	s9 =	sadd.s32 s4, s3;
	s10 =	ssub.s32 s30, s31;
	s7 =	sshrl.u32 s7, $0x2  }
0xe: {  	s3 =	sadd.s32 $0x600, s9;
	s4 =	sadd.s32 $0xA00, s9;
	s5 =	sadd.s32 $0xE00, s9  }
0xf: {  	v0 =	vimm.f32 $0.0e+00;
	s7 =	sadd.s32 s7, s1;
	s6 =	sadd.s32 $0x1200, s9;
	s9 =	smax.u32 s10, $0x1  }
0x10: {  	v1 =	vlaneseq.u32;
	v2 =	vimm.f32 $1.000000000e+00;
	vm0 =	vcmask $0x3F3C;
	s10 =	simm.s32 $0x1;
	s7 =	sadd.s32 s11, s7;
	s11 =	simm.s32 $0x4000  }
.LBB2_24:
0x11: {  	v10 =	vld [tilespmem:s29+$0x0]  }
0x12: {  	v5 =	vadd.f32 v5, v9  }
0x13: {  	v3 =	vadd.f32 v3, v8;
	s0 =	sor.u32 s20, s30;
	v61 =	vld [tilespmem:s28+$0x0]  }
0x14: {  	s21 =	sor.u32 s21, s30;
	v62 =	vld [tilespmem:s0+$0x0];
	v5 =	vadd.f32 v6, v5  }
0x15: {  	v63 =	vld [tilespmem:s21+$0x0];
	v3 =	vadd.f32 v4, v3  }
0x16: {  	v5 =	vadd.f32 v10, v5  }
0x17: {  	v3 =	vadd.f32 v7, v3  }
0x18: {  	v5 =	vadd.f32 v61, v5  }
0x19: {  	s30 =	sand.u32 $0x380, s25;
	v3 =	vadd.f32 v62, v3  }
0x1a: {  	s0 =	sor.u32 s20, s30;
	v4 =	vadd.f32 v63, v5  }
0x1b: {  	s31 =	sadd.s32 $0x20, s24;
	[tilespmem:s0+$0x7000] =	vst v3  }
0x1c: {  	[tilespmem:s31+$0x0] =	vst v4  }
0x1d: {  	[hbm4b:s8+s14] =	stream.strided.scatter [tilespmem:s13], [sflag:$0x3], $0x300, s18, s14, $0x38;
	[tilespmem:$0xA600] =	vst v63  }
0x1e: {  	_ =	swait.ge [sflag:s16], $0x300  }
0x1f: {  	[sflag:s16] =	ssyncset.done $0x0  }
0x20: {  	[sflag:s16] =	ssyncadd.s32 $0xFFFFFD00  }
.LBB2_25:
0x21: {  	s19 =	sadd.s32 $0x1, s19  }
0x22: {  	p1 =	sne.s32 s19, s9  }
.Ltmp1:
0x23: {  	_ = 	snop;
	(pc) =	sbr.rel @!p1 .LBB2_26-.Ltmp1, $1  }
0x24: {  	_ =	sdelay $0x3  }
.LBB2_1:
0x25: {  	s20 =	simm.s32 $0x10  }
0x26: {  	s23 =	sadd.s32 $0x0, s3;
	s21 =	simm.s32 $0x100;
	s22 =	simm.s32 $0x0  }
.LBB2_2:
0x27: {  	[tilespmem:s22], [sflag:$0x1] =	stream.linear.gather [hbm4b:s23+s2], $0x80, $0x38;
	[tilespmem:$0xA600] =	vst v63  }
0x28: {  	s23 =	smov.u32 s20;
	s22 =	smov.u32 s21;
	p1 =	sne.s32 s20, $0x3F0  }
.Ltmp2:
0x29: {  	s20 =	sadd.s32 $0x10, s20;
	(pc) =	sbr.rel @p1 .LBB2_2-.Ltmp2, $2  }
0x2a: {  	_ =	sdelay $0x2  }
0x2b: {  	s21 =	sadd.s32 $0x100, s21;
	s23 =	sadd.s32 s23, s3  }
0x2c: {  	[tilespmem:s22], [sflag:$0x1] =	stream.linear.gather [hbm4b:s23+s2], $0x80, $0x38;
	[tilespmem:$0xA600] =	vst v63  }
0x2d: {  	s20 =	simm.s32 $0x0;
	s21 =	simm.s32 $0x80  }
.LBB2_4:
0x2e: {  	p1 =	sne.s32 s20, $0x3F0  }
.Ltmp3:
0x2f: {  	_ = 	snop;
	(pc) =	sbr.rel @p1 .LBB2_4-.Ltmp3, $4  }
0x30: {  	_ = 	snop  }
0x31: {  	s22 =	sadd.s32 s20, s4  }
0x32: {  	[tilespmem:s21], [sflag:$0x2] =	stream.linear.gather [hbm4b:s22+s2], $0x80, $0x38;
	[tilespmem:$0xA600] =	vst v63  }
0x33: {  	s20 =	sadd.s32 $0x10, s20;
	s21 =	sadd.s32 $0x100, s21  }
0x34: {  	s20 =	simm.s32 $0x4040  }
0x35: {  	[tilespmem:s20+$0xFFFFFFC0] =	vst v0  }
0x36: {  	[tilespmem:s20+$0x30] =	vst v0  }
0x37: {  	[tilespmem:s20+$0x20] =	vst v0  }
0x38: {  	[tilespmem:s20+$0x10] =	vst v0  }
0x39: {  	[tilespmem:s20+$0x0] =	vst v0  }
0x3a: {  	[tilespmem:s20+$0xFFFFFFF0] =	vst v0  }
0x3b: {  	s21 =	simm.s32 $0x0;
	[tilespmem:s20+$0xFFFFFFE0] =	vst v0  }
.LBB2_6:
0x3c: {  	s21 =	sadd.s32 $0x80, s21;
	[tilespmem:s20+$0xFFFFFFD0] =	vst v0;
	s20 =	sadd.s32 $0x80, s20  }
0x3d: {  	[tilespmem:s20+$0xFFFFFFC0] =	vst v0;
	p1 =	slt.u32 s21, $0x2F80  }
0x3e: {  	[tilespmem:s20+$0x30] =	vst v0  }
.Ltmp4:
0x3f: {  	[tilespmem:s20+$0x20] =	vst v0;
	(pc) =	sbr.rel @p1 .LBB2_6-.Ltmp4, $4  }
0x40: {  	[tilespmem:s20+$0x10] =	vst v0  }
0x41: {  	[tilespmem:s20+$0x0] =	vst v0  }
0x42: {  	[tilespmem:s20+$0xFFFFFFF0] =	vst v0  }
0x43: {  	[tilespmem:s20+$0xFFFFFFE0] =	vst v0  }
0x44: {  	[tilespmem:s20+$0xFFFFFFD0] =	vst v0  }
0x45: {  	_ =	swait.ge [sflag:s10], $0x2000  }
0x46: {  	[sflag:s10] =	ssyncset.done $0x0  }
0x47: {  	s31 =	simm.s32 $0x40;
	[sflag:s10] =	ssyncadd.s32 $0xFFFFE000  }
0x48: {  	v3 =	vld [tilespmem:s31+$0x30]  }
0x49: {  	v4 =	vld [tilespmem:s31+$0xFFFFFFD0]  }
0x4a: {  	v5 =	vld [tilespmem:s31+$0xFFFFFFE0]  }
0x4b: {  	v6 =	vld [tilespmem:s31+$0xFFFFFFF0]  }
0x4c: {  	v7 =	vld [tilespmem:s31+$0x0]  }
0x4d: {  	v3 =	vshll.u32 v3, $0x4  }
0x4e: {  	v4 =	vshll.u32 v4, $0x4;
	v3 =	vor.u32 v1, v3  }
0x4f: {  	v5 =	vshll.u32 v5, $0x4;
	v4 =	vor.u32 v1, v4  }
0x50: {  	v8 =	vld [tilespmem:s31+$0x10];
	v6 =	vshll.u32 v6, $0x4;
	v5 =	vor.u32 v1, v5  }
0x51: {  	v9 =	vld [tilespmem:s31+$0x20];
	v7 =	vshll.u32 v7, $0x4;
	v6 =	vor.u32 v1, v6  }
0x52: {  	v10 =	vld [tilespmem:s31+$0xFFFFFFC0];
	v7 =	vor.u32 v1, v7  }
0x53: {  	[tilespmem:v3+s11+$0x0] =	vst.idx.add.f32.msk $0xffff, v2  }
0x54: {  	[tilespmem:v4+s11+$0x0] =	vst.idx.add.f32.msk $0xffff, v2  }
0x55: {  	[tilespmem:v5+s11+$0x0] =	vst.idx.add.f32.msk $0xffff, v2  }
0x56: {  	[tilespmem:v6+s11+$0x0] =	vst.idx.add.f32.msk $0xffff, v2  }
0x57: {  	v3 =	vshll.u32 v8, $0x4;
	v4 =	vshll.u32 v9, $0x4;
	v5 =	vshll.u32 v10, $0x4;
	[tilespmem:v7+s11+$0x0] =	vst.idx.add.f32.msk $0xffff, v2  }
0x58: {  	s20 =	simm.s32 $0x0;
	s21 =	simm.s32 $0x140;
	v3 =	vor.u32 v1, v3;
	v4 =	vor.u32 v1, v4;
	v5 =	vor.u32 v1, v5  }
.LBB2_8:
0x59: {  	v6 =	vld [tilespmem:s21+$0x30];
	s20 =	sadd.s32 $0x80, s20  }
0x5a: {  	v7 =	vld [tilespmem:s21+$0xFFFFFFD0];
	p1 =	slt.u32 s20, $0x1F80  }
0x5b: {  	v8 =	vld [tilespmem:s21+$0xFFFFFFE0]  }
0x5c: {  	v9 =	vld [tilespmem:s21+$0xFFFFFFF0]  }
0x5d: {  	v10 =	vld [tilespmem:s21+$0x0]  }
0x5e: {  	v11 =	vld [tilespmem:s21+$0x10];
	v6 =	vshll.u32 v6, $0x4  }
0x5f: {  	v7 =	vshll.u32 v7, $0x4;
	v12 =	vld [tilespmem:s21+$0x20];
	v6 =	vor.u32 v1, v6  }
0x60: {  	v13 =	vld [tilespmem:s21+$0xFFFFFFC0];
	v7 =	vor.u32 v1, v7;
	v8 =	vshll.u32 v8, $0x4  }
0x61: {  	v8 =	vor.u32 v1, v8;
	v9 =	vshll.u32 v9, $0x4;
	[tilespmem:v5+s11+$0x0] =	vst.idx.add.f32.msk $0xffff, v2  }
0x62: {  	v9 =	vor.u32 v1, v9;
	v5 =	vshll.u32 v10, $0x4;
	[tilespmem:v3+s11+$0x0] =	vst.idx.add.f32.msk $0xffff, v2  }
0x63: {  	v10 =	vor.u32 v1, v5;
	v3 =	vshll.u32 v11, $0x4;
	[tilespmem:v4+s11+$0x0] =	vst.idx.add.f32.msk $0xffff, v2  }
.Ltmp5:
0x64: {  	v3 =	vor.u32 v1, v3;
	v4 =	vshll.u32 v12, $0x4;
	[tilespmem:v6+s11+$0x0] =	vst.idx.add.f32.msk $0xffff, v2;
	(pc) =	sbr.rel @p1 .LBB2_8-.Ltmp5, $4  }
0x65: {  	v5 =	vshll.u32 v13, $0x4;
	[tilespmem:v7+s11+$0x0] =	vst.idx.add.f32.msk $0xffff, v2;
	v4 =	vor.u32 v1, v4  }
0x66: {  	v5 =	vor.u32 v1, v5;
	[tilespmem:v8+s11+$0x0] =	vst.idx.add.f32.msk $0xffff, v2  }
0x67: {  	[tilespmem:v9+s11+$0x0] =	vst.idx.add.f32.msk $0xffff, v2  }
0x68: {  	s21 =	sadd.s32 $0x100, s21;
	[tilespmem:v10+s11+$0x0] =	vst.idx.add.f32.msk $0xffff, v2  }
0x69: {  	_ =	sdelay $0x3  }
0x6a: {  	[tilespmem:v5+s11+$0x0] =	vst.idx.add.f32.msk $0xffff, v2  }
0x6b: {  	[tilespmem:v3+s11+$0x0] =	vst.idx.add.f32.msk $0xffff, v2;
	s20 =	simm.s32 $0x0  }
0x6c: {  	[tilespmem:v4+s11+$0x0] =	vst.idx.add.f32.msk $0xffff, v2;
	s21 =	simm.s32 $0x10;
	s23 =	sadd.s32 $0x0, s5;
	s22 =	simm.s32 $0x100  }
.LBB2_10:
0x6d: {  	[tilespmem:s20], [sflag:$0x1] =	stream.linear.gather [hbm4b:s23+s2], $0x80, $0x38;
	[tilespmem:$0xA600] =	vst v63  }
0x6e: {  	s23 =	smov.u32 s21;
	s20 =	smov.u32 s22;
	p1 =	sne.s32 s21, $0x3F0  }
.Ltmp6:
0x6f: {  	s21 =	sadd.s32 $0x10, s21;
	(pc) =	sbr.rel @p1 .LBB2_10-.Ltmp6, $2  }
0x70: {  	_ =	sdelay $0x2  }
0x71: {  	s22 =	sadd.s32 $0x100, s22;
	s23 =	sadd.s32 s23, s5  }
0x72: {  	[tilespmem:s20], [sflag:$0x1] =	stream.linear.gather [hbm4b:s23+s2], $0x80, $0x38;
	[tilespmem:$0xA600] =	vst v63  }
0x73: {  	_ =	swait.ge [sflag:s12], $0x2000  }
0x74: {  	[sflag:s12] =	ssyncset.done $0x0  }
0x75: {  	s31 =	simm.s32 $0xF0;
	[sflag:s12] =	ssyncadd.s32 $0xFFFFE000  }
0x76: {  	v3 =	vld [tilespmem:s31+$0x0]  }
0x77: {  	v4 =	vld [tilespmem:s31+$0xFFFFFFA0]  }
0x78: {  	v5 =	vld [tilespmem:s31+$0xFFFFFFB0]  }
0x79: {  	v6 =	vld [tilespmem:s31+$0xFFFFFFC0]  }
0x7a: {  	v7 =	vld [tilespmem:s31+$0xFFFFFFD0]  }
0x7b: {  	v3 =	vshll.u32 v3, $0x4  }
0x7c: {  	v4 =	vshll.u32 v4, $0x4;
	v3 =	vor.u32 v1, v3  }
0x7d: {  	v5 =	vshll.u32 v5, $0x4;
	v4 =	vor.u32 v1, v4  }
0x7e: {  	v8 =	vld [tilespmem:s31+$0xFFFFFFE0];
	v6 =	vshll.u32 v6, $0x4;
	v5 =	vor.u32 v1, v5  }
0x7f: {  	v9 =	vld [tilespmem:s31+$0xFFFFFFF0];
	v7 =	vshll.u32 v7, $0x4;
	v6 =	vor.u32 v1, v6  }
0x80: {  	v10 =	vld [tilespmem:s31+$0xFFFFFF90];
	v7 =	vor.u32 v1, v7  }
0x81: {  	[tilespmem:v3+s11+$0x0] =	vst.idx.add.f32.msk $0xffff, v2  }
0x82: {  	[tilespmem:v4+s11+$0x0] =	vst.idx.add.f32.msk $0xffff, v2  }
0x83: {  	[tilespmem:v5+s11+$0x0] =	vst.idx.add.f32.msk $0xffff, v2  }
0x84: {  	[tilespmem:v6+s11+$0x0] =	vst.idx.add.f32.msk $0xffff, v2  }
0x85: {  	v3 =	vshll.u32 v8, $0x4;
	v4 =	vshll.u32 v9, $0x4;
	v5 =	vshll.u32 v10, $0x4;
	[tilespmem:v7+s11+$0x0] =	vst.idx.add.f32.msk $0xffff, v2  }
0x86: {  	s20 =	simm.s32 $0x0;
	s21 =	simm.s32 $0x1F0;
	v3 =	vor.u32 v1, v3;
	v4 =	vor.u32 v1, v4;
	v5 =	vor.u32 v1, v5  }
.LBB2_12:
0x87: {  	v6 =	vld [tilespmem:s21+$0x0];
	s20 =	sadd.s32 $0x80, s20  }
0x88: {  	v7 =	vld [tilespmem:s21+$0xFFFFFFA0];
	p1 =	slt.u32 s20, $0x1F80  }
0x89: {  	v8 =	vld [tilespmem:s21+$0xFFFFFFB0]  }
0x8a: {  	v9 =	vld [tilespmem:s21+$0xFFFFFFC0]  }
0x8b: {  	v10 =	vld [tilespmem:s21+$0xFFFFFFD0]  }
0x8c: {  	v11 =	vld [tilespmem:s21+$0xFFFFFFE0];
	v6 =	vshll.u32 v6, $0x4  }
0x8d: {  	v7 =	vshll.u32 v7, $0x4;
	v12 =	vld [tilespmem:s21+$0xFFFFFFF0];
	v6 =	vor.u32 v1, v6  }
0x8e: {  	v13 =	vld [tilespmem:s21+$0xFFFFFF90];
	v7 =	vor.u32 v1, v7;
	v8 =	vshll.u32 v8, $0x4  }
0x8f: {  	v8 =	vor.u32 v1, v8;
	v9 =	vshll.u32 v9, $0x4;
	[tilespmem:v5+s11+$0x0] =	vst.idx.add.f32.msk $0xffff, v2  }
0x90: {  	v9 =	vor.u32 v1, v9;
	v5 =	vshll.u32 v10, $0x4;
	[tilespmem:v3+s11+$0x0] =	vst.idx.add.f32.msk $0xffff, v2  }
0x91: {  	v10 =	vor.u32 v1, v5;
	v3 =	vshll.u32 v11, $0x4;
	[tilespmem:v4+s11+$0x0] =	vst.idx.add.f32.msk $0xffff, v2  }
.Ltmp7:
0x92: {  	v3 =	vor.u32 v1, v3;
	v4 =	vshll.u32 v12, $0x4;
	[tilespmem:v6+s11+$0x0] =	vst.idx.add.f32.msk $0xffff, v2;
	(pc) =	sbr.rel @p1 .LBB2_12-.Ltmp7, $4  }
0x93: {  	v5 =	vshll.u32 v13, $0x4;
	[tilespmem:v7+s11+$0x0] =	vst.idx.add.f32.msk $0xffff, v2;
	v4 =	vor.u32 v1, v4  }
0x94: {  	v5 =	vor.u32 v1, v5;
	[tilespmem:v8+s11+$0x0] =	vst.idx.add.f32.msk $0xffff, v2  }
0x95: {  	[tilespmem:v9+s11+$0x0] =	vst.idx.add.f32.msk $0xffff, v2  }
0x96: {  	s21 =	sadd.s32 $0x100, s21;
	[tilespmem:v10+s11+$0x0] =	vst.idx.add.f32.msk $0xffff, v2  }
0x97: {  	_ =	sdelay $0x3  }
0x98: {  	[tilespmem:v5+s11+$0x0] =	vst.idx.add.f32.msk $0xffff, v2  }
0x99: {  	[tilespmem:v3+s11+$0x0] =	vst.idx.add.f32.msk $0xffff, v2;
	s20 =	simm.s32 $0x80  }
0x9a: {  	[tilespmem:v4+s11+$0x0] =	vst.idx.add.f32.msk $0xffff, v2;
	s21 =	simm.s32 $0x10;
	s23 =	sadd.s32 $0x0, s6;
	s22 =	simm.s32 $0x180  }
.LBB2_14:
0x9b: {  	[tilespmem:s20], [sflag:$0x2] =	stream.linear.gather [hbm4b:s23+s2], $0x80, $0x38;
	[tilespmem:$0xA600] =	vst v63  }
0x9c: {  	s23 =	smov.u32 s21;
	s20 =	smov.u32 s22;
	p1 =	sne.s32 s21, $0x3F0  }
.Ltmp8:
0x9d: {  	s21 =	sadd.s32 $0x10, s21;
	(pc) =	sbr.rel @p1 .LBB2_14-.Ltmp8, $2  }
0x9e: {  	_ =	sdelay $0x2  }
0x9f: {  	s22 =	sadd.s32 $0x100, s22;
	s23 =	sadd.s32 s23, s6  }
0xa0: {  	[tilespmem:s20], [sflag:$0x2] =	stream.linear.gather [hbm4b:s23+s2], $0x80, $0x38;
	[tilespmem:$0xA600] =	vst v63  }
0xa1: {  	_ =	swait.ge [sflag:s10], $0x2000  }
0xa2: {  	[sflag:s10] =	ssyncset.done $0x0  }
0xa3: {  	s31 =	simm.s32 $0x40;
	[sflag:s10] =	ssyncadd.s32 $0xFFFFE000  }
0xa4: {  	v3 =	vld [tilespmem:s31+$0x30]  }
0xa5: {  	v4 =	vld [tilespmem:s31+$0xFFFFFFD0]  }
0xa6: {  	v5 =	vld [tilespmem:s31+$0xFFFFFFE0]  }
0xa7: {  	v6 =	vld [tilespmem:s31+$0xFFFFFFF0]  }
0xa8: {  	v7 =	vld [tilespmem:s31+$0x0]  }
0xa9: {  	v3 =	vshll.u32 v3, $0x4  }
0xaa: {  	v4 =	vshll.u32 v4, $0x4;
	v3 =	vor.u32 v1, v3  }
0xab: {  	v5 =	vshll.u32 v5, $0x4;
	v4 =	vor.u32 v1, v4  }
0xac: {  	v8 =	vld [tilespmem:s31+$0x10];
	v6 =	vshll.u32 v6, $0x4;
	v5 =	vor.u32 v1, v5  }
0xad: {  	v9 =	vld [tilespmem:s31+$0x20];
	v7 =	vshll.u32 v7, $0x4;
	v6 =	vor.u32 v1, v6  }
0xae: {  	v10 =	vld [tilespmem:s31+$0xFFFFFFC0];
	v7 =	vor.u32 v1, v7  }
0xaf: {  	[tilespmem:v3+s11+$0x0] =	vst.idx.add.f32.msk $0xffff, v2  }
0xb0: {  	[tilespmem:v4+s11+$0x0] =	vst.idx.add.f32.msk $0xffff, v2  }
0xb1: {  	[tilespmem:v5+s11+$0x0] =	vst.idx.add.f32.msk $0xffff, v2  }
0xb2: {  	[tilespmem:v6+s11+$0x0] =	vst.idx.add.f32.msk $0xffff, v2  }
0xb3: {  	v3 =	vshll.u32 v8, $0x4;
	v4 =	vshll.u32 v9, $0x4;
	v5 =	vshll.u32 v10, $0x4;
	[tilespmem:v7+s11+$0x0] =	vst.idx.add.f32.msk $0xffff, v2  }
0xb4: {  	s20 =	simm.s32 $0x0;
	s21 =	simm.s32 $0x140;
	v3 =	vor.u32 v1, v3;
	v4 =	vor.u32 v1, v4;
	v5 =	vor.u32 v1, v5  }
.LBB2_16:
0xb5: {  	v6 =	vld [tilespmem:s21+$0x30];
	s20 =	sadd.s32 $0x80, s20  }
0xb6: {  	v7 =	vld [tilespmem:s21+$0xFFFFFFD0];
	p1 =	slt.u32 s20, $0x1F80  }
0xb7: {  	v8 =	vld [tilespmem:s21+$0xFFFFFFE0]  }
0xb8: {  	v9 =	vld [tilespmem:s21+$0xFFFFFFF0]  }
0xb9: {  	v10 =	vld [tilespmem:s21+$0x0]  }
0xba: {  	v11 =	vld [tilespmem:s21+$0x10];
	v6 =	vshll.u32 v6, $0x4  }
0xbb: {  	v7 =	vshll.u32 v7, $0x4;
	v12 =	vld [tilespmem:s21+$0x20];
	v6 =	vor.u32 v1, v6  }
0xbc: {  	v13 =	vld [tilespmem:s21+$0xFFFFFFC0];
	v7 =	vor.u32 v1, v7;
	v8 =	vshll.u32 v8, $0x4  }
0xbd: {  	v8 =	vor.u32 v1, v8;
	v9 =	vshll.u32 v9, $0x4;
	[tilespmem:v5+s11+$0x0] =	vst.idx.add.f32.msk $0xffff, v2  }
0xbe: {  	v9 =	vor.u32 v1, v9;
	v5 =	vshll.u32 v10, $0x4;
	[tilespmem:v3+s11+$0x0] =	vst.idx.add.f32.msk $0xffff, v2  }
0xbf: {  	v10 =	vor.u32 v1, v5;
	v3 =	vshll.u32 v11, $0x4;
	[tilespmem:v4+s11+$0x0] =	vst.idx.add.f32.msk $0xffff, v2  }
.Ltmp9:
0xc0: {  	v3 =	vor.u32 v1, v3;
	v4 =	vshll.u32 v12, $0x4;
	[tilespmem:v6+s11+$0x0] =	vst.idx.add.f32.msk $0xffff, v2;
	(pc) =	sbr.rel @p1 .LBB2_16-.Ltmp9, $4  }
0xc1: {  	v5 =	vshll.u32 v13, $0x4;
	[tilespmem:v7+s11+$0x0] =	vst.idx.add.f32.msk $0xffff, v2;
	v4 =	vor.u32 v1, v4  }
0xc2: {  	v5 =	vor.u32 v1, v5;
	[tilespmem:v8+s11+$0x0] =	vst.idx.add.f32.msk $0xffff, v2  }
0xc3: {  	[tilespmem:v9+s11+$0x0] =	vst.idx.add.f32.msk $0xffff, v2  }
0xc4: {  	s21 =	sadd.s32 $0x100, s21;
	[tilespmem:v10+s11+$0x0] =	vst.idx.add.f32.msk $0xffff, v2  }
0xc5: {  	_ =	sdelay $0x3  }
0xc6: {  	[tilespmem:v5+s11+$0x0] =	vst.idx.add.f32.msk $0xffff, v2  }
0xc7: {  	[tilespmem:v3+s11+$0x0] =	vst.idx.add.f32.msk $0xffff, v2  }
0xc8: {  	[tilespmem:v4+s11+$0x0] =	vst.idx.add.f32.msk $0xffff, v2  }
0xc9: {  	_ =	swait.ge [sflag:s12], $0x2000  }
0xca: {  	[sflag:s12] =	ssyncset.done $0x0  }
0xcb: {  	s20 =	simm.s32 $0xF0;
	[sflag:s12] =	ssyncadd.s32 $0xFFFFE000  }
0xcc: {  	v3 =	vld [tilespmem:s20+$0x0]  }
0xcd: {  	v4 =	vld [tilespmem:s20+$0xFFFFFFA0]  }
0xce: {  	v5 =	vld [tilespmem:s20+$0xFFFFFFB0]  }
0xcf: {  	v6 =	vld [tilespmem:s20+$0xFFFFFFC0]  }
0xd0: {  	v7 =	vld [tilespmem:s20+$0xFFFFFFD0]  }
0xd1: {  	v3 =	vshll.u32 v3, $0x4  }
0xd2: {  	v4 =	vshll.u32 v4, $0x4;
	v3 =	vor.u32 v1, v3  }
0xd3: {  	v5 =	vshll.u32 v5, $0x4;
	v4 =	vor.u32 v1, v4  }
0xd4: {  	v8 =	vld [tilespmem:s20+$0xFFFFFFE0];
	v6 =	vshll.u32 v6, $0x4;
	v5 =	vor.u32 v1, v5  }
0xd5: {  	v9 =	vld [tilespmem:s20+$0xFFFFFFF0];
	v7 =	vshll.u32 v7, $0x4;
	v6 =	vor.u32 v1, v6  }
0xd6: {  	v10 =	vld [tilespmem:s20+$0xFFFFFF90];
	v7 =	vor.u32 v1, v7  }
0xd7: {  	[tilespmem:v3+s11+$0x0] =	vst.idx.add.f32.msk $0xffff, v2  }
0xd8: {  	[tilespmem:v4+s11+$0x0] =	vst.idx.add.f32.msk $0xffff, v2  }
0xd9: {  	[tilespmem:v5+s11+$0x0] =	vst.idx.add.f32.msk $0xffff, v2  }
0xda: {  	[tilespmem:v6+s11+$0x0] =	vst.idx.add.f32.msk $0xffff, v2  }
0xdb: {  	v3 =	vshll.u32 v8, $0x4;
	v4 =	vshll.u32 v9, $0x4;
	v5 =	vshll.u32 v10, $0x4;
	[tilespmem:v7+s11+$0x0] =	vst.idx.add.f32.msk $0xffff, v2  }
0xdc: {  	s22 =	simm.s32 $0x0;
	s23 =	simm.s32 $0x1F0;
	v3 =	vor.u32 v1, v3;
	v4 =	vor.u32 v1, v4;
	v5 =	vor.u32 v1, v5  }
.LBB2_18:
0xdd: {  	v6 =	vld [tilespmem:s23+$0x0];
	s22 =	sadd.s32 $0x80, s22  }
0xde: {  	v7 =	vld [tilespmem:s23+$0xFFFFFFA0];
	p1 =	slt.u32 s22, $0x1F80  }
0xdf: {  	v8 =	vld [tilespmem:s23+$0xFFFFFFB0]  }
0xe0: {  	v9 =	vld [tilespmem:s23+$0xFFFFFFC0]  }
0xe1: {  	v10 =	vld [tilespmem:s23+$0xFFFFFFD0]  }
0xe2: {  	v11 =	vld [tilespmem:s23+$0xFFFFFFE0];
	v6 =	vshll.u32 v6, $0x4  }
0xe3: {  	v7 =	vshll.u32 v7, $0x4;
	v12 =	vld [tilespmem:s23+$0xFFFFFFF0];
	v6 =	vor.u32 v1, v6  }
0xe4: {  	v13 =	vld [tilespmem:s23+$0xFFFFFF90];
	v7 =	vor.u32 v1, v7;
	v8 =	vshll.u32 v8, $0x4  }
0xe5: {  	v8 =	vor.u32 v1, v8;
	v9 =	vshll.u32 v9, $0x4;
	[tilespmem:v5+s11+$0x0] =	vst.idx.add.f32.msk $0xffff, v2  }
0xe6: {  	v9 =	vor.u32 v1, v9;
	v5 =	vshll.u32 v10, $0x4;
	[tilespmem:v3+s11+$0x0] =	vst.idx.add.f32.msk $0xffff, v2  }
0xe7: {  	v10 =	vor.u32 v1, v5;
	v3 =	vshll.u32 v11, $0x4;
	[tilespmem:v4+s11+$0x0] =	vst.idx.add.f32.msk $0xffff, v2  }
.Ltmp10:
0xe8: {  	s20 =	simm.s32 $0x0;
	s21 =	simm.s32 $0x4040;
	v3 =	vor.u32 v1, v3;
	v4 =	vshll.u32 v12, $0x4;
	[tilespmem:v6+s11+$0x0] =	vst.idx.add.f32.msk $0xffff, v2;
	(pc) =	sbr.rel @p1 .LBB2_18-.Ltmp10, $4  }
0xe9: {  	v5 =	vshll.u32 v13, $0x4;
	[tilespmem:v7+s11+$0x0] =	vst.idx.add.f32.msk $0xffff, v2;
	v4 =	vor.u32 v1, v4  }
0xea: {  	v5 =	vor.u32 v1, v5;
	[tilespmem:v8+s11+$0x0] =	vst.idx.add.f32.msk $0xffff, v2  }
0xeb: {  	[tilespmem:v9+s11+$0x0] =	vst.idx.add.f32.msk $0xffff, v2  }
0xec: {  	s23 =	sadd.s32 $0x100, s23;
	[tilespmem:v10+s11+$0x0] =	vst.idx.add.f32.msk $0xffff, v2  }
0xed: {  	_ =	sdelay $0x3  }
0xee: {  	[tilespmem:v5+s11+$0x0] =	vst.idx.add.f32.msk $0xffff, v2  }
0xef: {  	[tilespmem:v3+s11+$0x0] =	vst.idx.add.f32.msk $0xffff, v2  }
0xf0: {  	[tilespmem:v4+s11+$0x0] =	vst.idx.add.f32.msk $0xffff, v2  }
0xf1: {  	v3 =	vld [tilespmem:s21+$0xFFFFFFC0]  }
0xf2: {  	v4 =	vld [tilespmem:s21+$0x30]  }
0xf3: {  	v5 =	vld [tilespmem:s21+$0x0];
	_ =	sdelay $0x2  }
0xf4: {  	(xrf2) =	vadd.scan.msk.f32 $0xffff, v3  }
0xf5: {  	(xrf2) =	vadd.scan.msk.f32 $0xffff, v4;
	v4 =	vld [tilespmem:s21+$0xFFFFFFF0]  }
0xf6: {  	(xrf2) =	vadd.scan.msk.f32 $0xffff, v5  }
0xf7: {  	v3 =	vmov s20  }
0xf8: {  	v6 =	vld [tilespmem:s21+$0x10];
	v3 =	vand.u32 $0xFFFFFFF8, v3  }
0xf9: {  	v3 =	vbroadcast v3, $0x0  }
0xfa: {  	s22 =	simm.s32 $0x7;
	(xrf2) =	vadd.scan.msk.f32 $0xffff, v4  }
0xfb: {  	v7 =	vld [tilespmem:s21+$0x20];
	v8 =	vmov s22;
	_ =	sdelay $0x1  }
0xfc: {  	s31 =	simm.s32 $0x6;
	(xrf2) =	vadd.scan.msk.f32 $0xffff, v6  }
0xfd: {  	v9 =	vmov s31;
	v5 =	vld [tilespmem:s21+$0xFFFFFFE0];
	v4, _, _ =	vpop (xrf2)  }
0xfe: {  	v9 =	vand.u32 $0xFFFFFFFE, v9;
	[tilespmem:v3+s13+$0x0] =	vst.idx.msk vm0, v4;
	v6, _, _ =	vpop (xrf2)  }
0xff: {  	s23 =	simm.s32 $0x4;
	s22 =	simm.s32 $0x8;
	(xrf2) =	vadd.scan.msk.f32 $0xffff, v7;
	v4 =	vld [tilespmem:s21+$0xFFFFFFD0];
	v3 =	vbroadcast v9, $0x0;
	[tilespmem:v8+s13+$0x0] =	vst.idx.msk vm0, v6;
	v6, _, _ =	vpop (xrf2)  }
.LBB2_20:
0x100: {  	p1 =	slt.u32 s22, $0x2F8  }
0x101: {  	v7 =	vmov s22;
	v8 =	vmov s23;
	s21 =	sadd.s32 $0x80, s21;
	s23 =	smov.u32 s22;
	s22 =	sadd.s32 $0x8, s22  }
0x102: {  	s24 =	sadd.s32 $0x5, s20;
	v9 =	vld [tilespmem:s21+$0xFFFFFFC0];
	v7 =	vand.u32 $0xFFFFFFF8, v7;
	v8 =	vand.u32 $0xFFFFFFFC, v8;
	(xrf2) =	vadd.scan.msk.f32 $0xffff, v5  }
0x103: {  	s25 =	sadd.s32 $0x3, s20;
	v5 =	vmov s24;
	v10 =	vld [tilespmem:s21+$0x30];
	v8 =	vbroadcast v8, $0x0;
	v11, _, _ =	vpop (xrf2)  }
0x104: {  	v13 =	vmov s25;
	v5 =	vand.u32 $0xFFFFFFFD, v5;
	v12 =	vld [tilespmem:s21+$0x20]  }
0x105: {  	v13 =	vand.u32 $0xFFFFFFFB, v13;
	v15 =	vbroadcast v5, $0x0;
	v14 =	vld [tilespmem:s21+$0x10];
	(xrf2) =	vadd.scan.msk.f32 $0xffff, v4  }
0x106: {  	s24 =	sadd.s32 $0x1, s20;
	s25 =	sadd.s32 $0x2, s20;
	s20 =	smov.u32 s23;
	v13 =	vbroadcast v13, $0x0;
	v16 =	vld [tilespmem:s21+$0x0];
	v17, _, _ =	vpop (xrf2)  }
0x107: {  	v19 =	vmov s25;
	v4 =	vmov s24;
	v18 =	vld [tilespmem:s21+$0xFFFFFFF0]  }
0x108: {  	v19 =	vand.u32 $0xFFFFFFFA, v19;
	v5 =	vld [tilespmem:s21+$0xFFFFFFE0];
	(xrf2) =	vadd.scan.msk.f32 $0xffff, v9;
	v9 =	vand.u32 $0xFFFFFFF9, v4  }
0x109: {  	v19 =	vbroadcast v19, $0x0;
	v4 =	vld [tilespmem:s21+$0xFFFFFFD0];
	v9 =	vbroadcast v9, $0x0;
	[tilespmem:v8+s13+$0x0] =	vst.idx.msk vm0, v6;
	v6, _, _ =	vpop (xrf2)  }
0x10a: {  	[tilespmem:v3+s13+$0x0] =	vst.idx.msk vm0, v6  }
0x10b: {  	s23 =	sadd.s32 $0x6, s20;
	(xrf2) =	vadd.scan.msk.f32 $0xffff, v10;
	[tilespmem:v15+s13+$0x0] =	vst.idx.msk vm0, v17  }
0x10c: {  	v3 =	vmov s23;
	[tilespmem:v13+s13+$0x0] =	vst.idx.msk vm0, v11;
	v6, _, _ =	vpop (xrf2)  }
0x10d: {  	v3 =	vand.u32 $0xFFFFFFFE, v3  }
0x10e: {  	v3 =	vbroadcast v3, $0x0;
	(xrf2) =	vadd.scan.msk.f32 $0xffff, v16  }
0x10f: {  	v7 =	vbroadcast v7, $0x0;
	[tilespmem:v19+s13+$0x0] =	vst.idx.msk vm0, v6;
	v6, _, _ =	vpop (xrf2)  }
0x110: {  	s23 =	sadd.s32 $0x7, s20;
	[tilespmem:v9+s13+$0x0] =	vst.idx.msk vm0, v6  }
0x111: {  	v6 =	vmov s23;
	(xrf2) =	vadd.scan.msk.f32 $0xffff, v18  }
0x112: {  	v8, _, _ =	vpop (xrf2);
	_ =	sdelay $0x1  }
.Ltmp11:
0x113: {  	(xrf2) =	vadd.scan.msk.f32 $0xffff, v14;
	(pc) =	sbr.rel @p1 .LBB2_20-.Ltmp11, $4  }
0x114: {  	[tilespmem:v7+s13+$0x0] =	vst.idx.msk vm0, v8;
	v7, _, _ =	vpop (xrf2)  }
0x115: {  	[tilespmem:v6+s13+$0x0] =	vst.idx.msk vm0, v7  }
0x116: {  	(xrf2) =	vadd.scan.msk.f32 $0xffff, v12  }
0x117: {  	s23 =	sadd.s32 $0x4, s20;
	v6, _, _ =	vpop (xrf2)  }
0x118: {  	v7 =	vmov s23  }
0x119: {  	s21 =	sadd.s32 $0x5, s20;
	(xrf2) =	vadd.scan.msk.f32 $0xffff, v5;
	v7 =	vand.u32 $0xFFFFFFFC, v7  }
0x11a: {  	s22 =	sadd.s32 $0x3, s20;
	v61 =	vmov s21;
	(xrf2) =	vadd.scan.msk.f32 $0xffff, v4;
	v60 =	vbroadcast v7, $0x0  }
0x11b: {  	s30 =	sadd.s32 $0x2, s20;
	v62 =	vmov s22;
	v7 =	vand.u32 $0xFFFFFFFD, v61  }
0x11c: {  	s31 =	sadd.s32 $0x1, s20;
	v8 =	vmov s30;
	v4 =	vand.u32 $0xFFFFFFFB, v62;
	v7 =	vbroadcast v7, $0x0  }
0x11d: {  	v9 =	vmov s31;
	v8 =	vand.u32 $0xFFFFFFFA, v8;
	v4 =	vbroadcast v4, $0x0  }
0x11e: {  	v10, _, _ =	vpop (xrf2);
	v9 =	vand.u32 $0xFFFFFFF9, v9;
	v8 =	vbroadcast v8, $0x0  }
0x11f: {  	v9 =	vbroadcast v9, $0x0;
	v11, _, _ =	vpop (xrf2)  }
0x120: {  	[tilespmem:v60+s13+$0x0] =	vst.idx.msk vm0, v6;
	v63, _, _ =	vpop (xrf2)  }
0x121: {  	[tilespmem:v3+s13+$0x0] =	vst.idx.msk vm0, v63  }
0x122: {  	[tilespmem:v7+s13+$0x0] =	vst.idx.msk vm0, v11  }
0x123: {  	[tilespmem:v4+s13+$0x0] =	vst.idx.msk vm0, v10;
	v3, _, _ =	vpop (xrf2)  }
0x124: {  	[tilespmem:v8+s13+$0x0] =	vst.idx.msk vm0, v3;
	v3, _, _ =	vpop (xrf2)  }
0x125: {  	[tilespmem:v9+s13+$0x0] =	vst.idx.msk vm0, v3  }
0x126: {  	[spmem:s7] =	stream.strided.scatter [tilespmem:s13], [sflag:$0x3], $0x300, s15, s14, $0x38;
	[tilespmem:$0xA600] =	vst v63  }
.Ltmp12:
0x127: {  	_ =	swait.ge [sflag:s16], $0x300;
	(pc) =	sbr.rel @p0 .LBB2_25-.Ltmp12, $3  }
0x128: {  	[sflag:s16] =	ssyncset.done $0x0  }
0x129: {  	[sflag:s16] =	ssyncadd.s32 $0xFFFFFD00  }
0x12a: {  	[bflag:$0x0] =	sbarrier.arrive $0xFFFF;
	_ =	sdelay $0x1  }
0x12b: {  	[tilespmem:s17], [sflag:$0x3] =	stream.linear.gather [spmem:s1], $0x3000, $0x38;
	[tilespmem:$0xA600] =	vst v63  }
0x12c: {  	s21 =	simm.s32 $0x0;
	s24 =	simm.s32 $0x0  }
0x12d: {  	_ =	swait.ge [sflag:s16], $0x3000;
	s20 =	sand.u32 $0x60, s24;
	s21 =	sand.u32 $0x1C00, s21  }
0x12e: {  	[sflag:s16] =	ssyncset.done $0x0;
	s22 =	sadd.s32 $0x7300, s21;
	s25 =	sor.u32 $0x10, s20  }
0x12f: {  	[sflag:s16] =	ssyncadd.s32 $0xFFFFD000;
	s23 =	sor.u32 s25, s22  }
0x130: {  	v3 =	vld [tilespmem:s23+$0x0]  }
0x131: {  	s22 =	sor.u32 s20, s22;
	v4 =	vld [tilespmem:s23+$0x80]  }
0x132: {  	v5 =	vld [tilespmem:s22+$0x0]  }
0x133: {  	v6 =	vld [tilespmem:s23+$0x100]  }
0x134: {  	v7 =	vld [tilespmem:s22+$0x80]  }
0x135: {  	v8 =	vld [tilespmem:s23+$0x180]  }
0x136: {  	v9 =	vld [tilespmem:s22+$0x100]  }
0x137: {  	v10 =	vld [tilespmem:s23+$0x200]  }
0x138: {  	v11 =	vld [tilespmem:s22+$0x180]  }
0x139: {  	v12 =	vld [tilespmem:s23+$0x280]  }
0x13a: {  	v13 =	vld [tilespmem:s22+$0x200]  }
0x13b: {  	v14 =	vld [tilespmem:s23+$0x300]  }
0x13c: {  	v15 =	vld [tilespmem:s22+$0x280]  }
0x13d: {  	s26 =	sadd.s32 $0x8B00, s21;
	v16 =	vld [tilespmem:s23+$0x380]  }
0x13e: {  	s0 =	sor.u32 s25, s26;
	v17 =	vld [tilespmem:s22+$0x300]  }
0x13f: {  	s28 =	sadd.s32 $0x8B80, s21;
	v18 =	vld [tilespmem:s0+$0x0]  }
0x140: {  	s31 =	sor.u32 s25, s28;
	v19 =	vld [tilespmem:s22+$0x380]  }
0x141: {  	s0 =	sor.u32 s20, s26;
	s26 =	sadd.s32 $0x8C00, s21;
	v20 =	vld [tilespmem:s31+$0x0]  }
0x142: {  	v21 =	vld [tilespmem:s0+$0x0];
	s31 =	sor.u32 s25, s26  }
0x143: {  	s0 =	sor.u32 s20, s28;
	s28 =	sadd.s32 $0x8C80, s21;
	v22 =	vld [tilespmem:s31+$0x0]  }
0x144: {  	v23 =	vld [tilespmem:s0+$0x0];
	s31 =	sor.u32 s25, s28  }
0x145: {  	s0 =	sor.u32 s20, s26;
	s26 =	sadd.s32 $0x8D00, s21;
	v24 =	vld [tilespmem:s31+$0x0]  }
0x146: {  	v25 =	vld [tilespmem:s0+$0x0];
	s31 =	sor.u32 s25, s26  }
0x147: {  	s0 =	sor.u32 s20, s28;
	s28 =	sadd.s32 $0x8D80, s21;
	v26 =	vld [tilespmem:s31+$0x0]  }
0x148: {  	v27 =	vld [tilespmem:s0+$0x0];
	s23 =	sor.u32 s25, s28  }
0x149: {  	s31 =	sor.u32 s20, s26;
	s0 =	sadd.s32 $0x8E00, s21;
	v28 =	vld [tilespmem:s23+$0x0]  }
0x14a: {  	v29 =	vld [tilespmem:s31+$0x0];
	s23 =	sor.u32 s25, s0  }
0x14b: {  	s31 =	sor.u32 s20, s28;
	s28 =	sadd.s32 $0x8E80, s21;
	v3 =	vadd.f32 v4, v3;
	v30 =	vld [tilespmem:s23+$0x0]  }
0x14c: {  	s22 =	simm.s32 $0x20;
	v4 =	vadd.f32 v7, v5;
	v5 =	vld [tilespmem:s31+$0x0];
	s29 =	sor.u32 s25, s28;
	s23 =	simm.s32 $0x100  }
0x14d: {  	s30 =	sor.u32 s20, s0;
	s21 =	sand.u32 $0x60, s22;
	s26 =	sand.u32 $0x1C00, s23;
	v7 =	vld [tilespmem:s29+$0x0];
	v3 =	vadd.f32 v6, v3  }
0x14e: {  	s28 =	sor.u32 s20, s28;
	s20 =	sor.u32 $0x10, s21;
	v4 =	vadd.f32 v9, v4;
	v6 =	vld [tilespmem:s30+$0x0];
	s29 =	sadd.s32 $0x7300, s26  }
0x14f: {  	v9 =	vld [tilespmem:s28+$0x0];
	s30 =	sor.u32 s20, s29;
	v3 =	vadd.f32 v8, v3  }
0x150: {  	v4 =	vadd.f32 v11, v4;
	v8 =	vld [tilespmem:s30+$0x0]  }
0x151: {  	v11 =	vld [tilespmem:s30+$0x80];
	v3 =	vadd.f32 v10, v3  }
0x152: {  	s28 =	sor.u32 s21, s29;
	v46 =	vld [tilespmem:s30+$0x100];
	v4 =	vadd.f32 v13, v4  }
0x153: {  	v47 =	vld [tilespmem:s28+$0x80];
	v3 =	vadd.f32 v12, v3  }
0x154: {  	v10 =	vld [tilespmem:s28+$0x0];
	v4 =	vadd.f32 v15, v4  }
0x155: {  	v48 =	vld [tilespmem:s30+$0x180];
	v3 =	vadd.f32 v14, v3  }
0x156: {  	v49 =	vld [tilespmem:s28+$0x100];
	v4 =	vadd.f32 v17, v4;
	v8 =	vadd.f32 v11, v8  }
0x157: {  	v11 =	vld [tilespmem:s30+$0x200];
	v3 =	vadd.f32 v16, v3  }
0x158: {  	v50 =	vld [tilespmem:s28+$0x180];
	v4 =	vadd.f32 v19, v4;
	v8 =	vadd.f32 v46, v8  }
0x159: {  	v51 =	vld [tilespmem:s30+$0x280];
	v10 =	vadd.f32 v47, v10;
	v3 =	vadd.f32 v18, v3  }
0x15a: {  	v52 =	vld [tilespmem:s28+$0x200];
	v4 =	vadd.f32 v21, v4;
	v8 =	vadd.f32 v48, v8  }
0x15b: {  	v53 =	vld [tilespmem:s30+$0x300];
	v10 =	vadd.f32 v49, v10;
	v3 =	vadd.f32 v20, v3  }
0x15c: {  	v54 =	vld [tilespmem:s28+$0x280];
	v4 =	vadd.f32 v23, v4;
	v8 =	vadd.f32 v11, v8  }
0x15d: {  	s29 =	sadd.s32 $0x8B00, s26;
	v10 =	vadd.f32 v50, v10;
	v11 =	vld [tilespmem:s30+$0x380];
	v3 =	vadd.f32 v22, v3  }
0x15e: {  	v55 =	vld [tilespmem:s28+$0x300];
	s30 =	sor.u32 s20, s29;
	v4 =	vadd.f32 v25, v4;
	v8 =	vadd.f32 v51, v8  }
0x15f: {  	s31 =	sadd.s32 $0x8B80, s26;
	v10 =	vadd.f32 v52, v10;
	v56 =	vld [tilespmem:s30+$0x0];
	v3 =	vadd.f32 v24, v3  }
0x160: {  	v57 =	vld [tilespmem:s28+$0x380];
	s28 =	sor.u32 s20, s31;
	v4 =	vadd.f32 v27, v4;
	v8 =	vadd.f32 v53, v8  }
0x161: {  	v58 =	vld [tilespmem:s28+$0x0];
	s29 =	sor.u32 s21, s29;
	s30 =	sadd.s32 $0x8C00, s26;
	v10 =	vadd.f32 v54, v10;
	v3 =	vadd.f32 v26, v3  }
0x162: {  	v59 =	vld [tilespmem:s29+$0x0];
	s28 =	sor.u32 s20, s30;
	v4 =	vadd.f32 v29, v4;
	v8 =	vadd.f32 v11, v8  }
0x163: {  	s0 =	sadd.s32 $0x8C80, s26;
	s29 =	sor.u32 s21, s31;
	v10 =	vadd.f32 v55, v10;
	v11 =	vld [tilespmem:s28+$0x0];
	v3 =	vadd.f32 v28, v3  }
0x164: {  	v60 =	vld [tilespmem:s29+$0x0];
	s28 =	sor.u32 s20, s0;
	v4 =	vadd.f32 v5, v4;
	v5 =	vadd.f32 v56, v8  }
0x165: {  	s29 =	sor.u32 s21, s30;
	s30 =	sadd.s32 $0x8D00, s26;
	v8 =	vadd.f32 v57, v10;
	v10 =	vld [tilespmem:s28+$0x0];
	v61 =	vadd.f32 v30, v3  }
0x166: {  	v62 =	vld [tilespmem:s29+$0x0];
	s28 =	sor.u32 s20, s30;
	v4 =	vadd.f32 v6, v4;
	v6 =	vadd.f32 v58, v5  }
0x167: {  	s31 =	sadd.s32 $0x8D80, s26;
	s29 =	sor.u32 s21, s0;
	v8 =	vadd.f32 v59, v8;
	v3 =	vld [tilespmem:s28+$0x0]  }
0x168: {  	s24 =	sand.u32 $0x380, s24;
	v5 =	vld [tilespmem:s29+$0x0];
	s28 =	sor.u32 s20, s31;
	v7 =	vadd.f32 v7, v61;
	v11 =	vadd.f32 v11, v6  }
0x169: {  	s25 =	sor.u32 s25, s24;
	s0 =	sadd.s32 $0x8E00, s26;
	s30 =	sor.u32 s21, s30;
	v9 =	vadd.f32 v9, v4;
	v63 =	vadd.f32 v60, v8;
	v4 =	vld [tilespmem:s28+$0x0]  }
0x16a: {  	s24 =	simm.s32 $0x7000;
	s29 =	sor.u32 s21, s31;
	s31 =	sor.u32 s20, s0;
	v6 =	vld [tilespmem:s30+$0x0];
	[tilespmem:s25+$0x7000] =	vst v7;
	v8 =	vadd.f32 v10, v11  }
0x16b: {  	s28 =	sor.u32 s21, s0;
	s30 =	sadd.s32 $0x8E80, s26;
	[tilespmem:s24+$0x0] =	vst v9;
	v9 =	vadd.f32 v62, v63;
	v7 =	vld [tilespmem:s31+$0x0];
	s25 =	simm.s32 $0x20  }
.LBB2_23:
0x16c: {  	s22 =	sadd.s32 $0x20, s22;
	v10 =	vld [tilespmem:s29+$0x0];
	v3 =	vadd.f32 v3, v8;
	s0 =	sor.u32 s20, s30;
	s23 =	sadd.s32 $0x100, s23  }
0x16d: {  	v5 =	vadd.f32 v5, v9;
	s29 =	sor.u32 s21, s30;
	s26 =	sand.u32 $0x1C00, s23;
	s21 =	sand.u32 $0x60, s22;
	v8 =	vld [tilespmem:s0+$0x0]  }
0x16e: {  	p1 =	slt.u32 s22, $0x2E0;
	s0 =	sadd.s32 $0x7300, s26;
	s30 =	sor.u32 $0x10, s21;
	v9 =	vld [tilespmem:s28+$0x0];
	v3 =	vadd.f32 v4, v3  }
0x16f: {  	v4 =	vadd.f32 v6, v5;
	s28 =	sor.u32 s21, s0;
	s0 =	sor.u32 s30, s0;
	v5 =	vld [tilespmem:s29+$0x0]  }
0x170: {  	v6 =	vld [tilespmem:s0+$0x0];
	v3 =	vadd.f32 v7, v3  }
0x171: {  	v7 =	vld [tilespmem:s0+$0x80];
	v4 =	vadd.f32 v10, v4  }
0x172: {  	s29 =	sand.u32 $0x380, s25;
	s25 =	smov.u32 s22;
	v10 =	vld [tilespmem:s28+$0x0];
	v3 =	vadd.f32 v8, v3  }
0x173: {  	s29 =	sor.u32 s20, s29;
	s20 =	smov.u32 s30;
	v8 =	vld [tilespmem:s0+$0x100];
	v4 =	vadd.f32 v9, v4  }
0x174: {  	v9 =	vld [tilespmem:s28+$0x80];
	[tilespmem:s29+$0x7000] =	vst v3  }
0x175: {  	v3 =	vld [tilespmem:s0+$0x180];
	v4 =	vadd.f32 v5, v4  }
0x176: {  	s24 =	sadd.s32 $0x20, s24;
	v5 =	vld [tilespmem:s28+$0x100];
	v6 =	vadd.f32 v7, v6  }
0x177: {  	v7 =	vld [tilespmem:s0+$0x200];
	[tilespmem:s24+$0x0] =	vst v4  }
0x178: {  	v4 =	vld [tilespmem:s28+$0x180];
	v6 =	vadd.f32 v8, v6  }
0x179: {  	v8 =	vadd.f32 v9, v10;
	v9 =	vld [tilespmem:s0+$0x280]  }
0x17a: {  	v10 =	vld [tilespmem:s28+$0x200];
	v3 =	vadd.f32 v3, v6  }
0x17b: {  	v5 =	vadd.f32 v5, v8;
	v6 =	vld [tilespmem:s0+$0x300]  }
0x17c: {  	v8 =	vld [tilespmem:s28+$0x280];
	v3 =	vadd.f32 v7, v3  }
0x17d: {  	s29 =	sadd.s32 $0x8B00, s26;
	v4 =	vadd.f32 v4, v5;
	v5 =	vld [tilespmem:s0+$0x380]  }
0x17e: {  	s0 =	sor.u32 s21, s29;
	s29 =	sor.u32 s20, s29;
	v7 =	vld [tilespmem:s28+$0x300];
	v3 =	vadd.f32 v9, v3  }
0x17f: {  	s30 =	sadd.s32 $0x8B80, s26;
	v4 =	vadd.f32 v10, v4;
	v9 =	vld [tilespmem:s29+$0x0]  }
0x180: {  	s29 =	sor.u32 s20, s30;
	v10 =	vld [tilespmem:s28+$0x380];
	s28 =	sor.u32 s21, s30;
	v3 =	vadd.f32 v6, v3  }
0x181: {  	s30 =	sadd.s32 $0x8C00, s26;
	v4 =	vadd.f32 v8, v4;
	v6 =	vld [tilespmem:s29+$0x0]  }
0x182: {  	s29 =	sor.u32 s20, s30;
	v8 =	vld [tilespmem:s0+$0x0];
	s0 =	sor.u32 s21, s30;
	v3 =	vadd.f32 v5, v3  }
0x183: {  	s30 =	sadd.s32 $0x8C80, s26;
	v4 =	vadd.f32 v7, v4;
	v7 =	vld [tilespmem:s29+$0x0]  }
0x184: {  	s29 =	sor.u32 s20, s30;
	v11 =	vld [tilespmem:s28+$0x0];
	s28 =	sor.u32 s21, s30;
	v3 =	vadd.f32 v9, v3  }
0x185: {  	s30 =	sadd.s32 $0x8D00, s26;
	v4 =	vadd.f32 v10, v4;
	v9 =	vld [tilespmem:s29+$0x0]  }
0x186: {  	s29 =	sor.u32 s20, s30;
	v10 =	vld [tilespmem:s0+$0x0];
	s0 =	sor.u32 s21, s30;
	v6 =	vadd.f32 v6, v3  }
.Ltmp13:
0x187: {  	s30 =	sadd.s32 $0x8D80, s26;
	v4 =	vadd.f32 v8, v4;
	v3 =	vld [tilespmem:s29+$0x0];
	(pc) =	sbr.rel @p1 .LBB2_23-.Ltmp13, $4  }
0x188: {  	s29 =	sor.u32 s21, s30;
	v5 =	vld [tilespmem:s28+$0x0];
	v7 =	vadd.f32 v7, v6;
	s28 =	sor.u32 s20, s30  }
0x189: {  	s30 =	sadd.s32 $0x8E00, s26;
	v11 =	vadd.f32 v11, v4;
	v4 =	vld [tilespmem:s28+$0x0]  }
0x18a: {  	s28 =	sor.u32 s21, s30;
	v6 =	vld [tilespmem:s0+$0x0];
	v8 =	vadd.f32 v9, v7;
	s0 =	sor.u32 s20, s30  }
0x18b: {  	s30 =	sadd.s32 $0x8E80, s26;
	v9 =	vadd.f32 v10, v11;
	v7 =	vld [tilespmem:s0+$0x0]  }
.Ltmp14:
0x18c: {  	_ = 	snop;
	(pc) =	sbr.rel .LBB2_24-.Ltmp14, $1  }
0x18d: {  	_ =	sdelay $0x3  }
.LBB2_26:
0x18e: {  	_ =	sfence.sel $0x180000  }
0x18f: {  	[bflag:$0x0] =	sbarrier.arrive $0xFFFF  }
0x190: {  	_ =	strace $0x90000047  }
0x191: {  	[bflag:$0x2] =	sbarrier.arrive $0xFFFF  }
0x192: {  	s0 =	rddreg [dreg:$0x3]  }
0x193: {  	s0 =	sadd.s32 @!p0 $0x100000, s0  }
0x194: {  	[sflag:s0] =	ssyncadd.tile.s32 @!p0 $0x1;
	_ =	shalt  }
.Lfunc_end2:
_tile_overlayer_lowered:
.L_overlay_start_2:
0x195: {  	(tag) =	ssettag $0x2  }
0x196: {  	s0 =	rddreg [dreg:$0x0];
	s2 =	stileid.u32  }
0x197: {  	s1 =	rddreg [dreg:$0x1];
	p0 =	sne.s32 s2, $0x0  }
0x198: {  	s3 =	rddreg [dreg:$0x2];
	[bflag:$0x3] =	sbarrier.arrive $0xFFFF;
	s2 =	simm.s32 @!p0 $0x1C03  }
0x199: {  	[timem:s3], [sflag:s2] =	dma.local @!p0 [hbm:s0], s1  }
0x19a: {  	s0 =	simm.s32 @!p0 $0x3  }
0x19b: {  	_ =	swait.ge @!p0 [sflag:s0], s1  }
0x19c: {  	s1 =	ssub.s32 @!p0 $0x0, s1;
	[sflag:s0] =	ssyncset.done @!p0 $0x0  }
0x19d: {  	[sflag:s0] =	ssyncadd.s32 @!p0 s1  }
0x19e: {  	[bflag:$0x3] =	sbarrier.arrive $0xFFFF  }
0x19f: {  	_ =	shalt  }

</sc_bundles>
